<compile_context>
chip_gen: v7x
topology: tpu7x:2x2x1
jax: 0.10.2.dev20260603
libtpu: 0.0.44.dev20260713+nightly
codegen_flags: <defaults>
</compile_context>

<pallas_src>
import functools

import jax
import jax.numpy as jnp
from jax import lax
from jax.experimental import pallas as pl
from jax.experimental.pallas import tpu as pltpu
from jax.experimental.pallas import tpu_sc as plsc

BATCH = 16384
N_FIELDS = 26
FEATURE_DIM = 1000000
NC = 2
NS = 16
NW = NC * NS
B_PER_W = BATCH // NW
CHUNK = B_PER_W * N_FIELDS
LANES = 16
N_VECS = B_PER_W // LANES
FIELD_GROUPS = ((0, 7), (7, 14), (14, 20), (20, 26))


@functools.partial(
    pl.kernel,
    out_type=jax.ShapeDtypeStruct((BATCH,), jnp.float32),
    mesh=plsc.VectorSubcoreMesh(core_axis_name="c", subcore_axis_name="s"),
    compiler_params=pltpu.CompilerParams(needs_layout_passes=False,
                                         use_tc_tiling_on_sc=True),
    scratch_types=[
        pltpu.VMEM((CHUNK,), jnp.int32),
        pltpu.VMEM((CHUNK,), jnp.float32),
        pltpu.VMEM((CHUNK,), jnp.float32),
        pltpu.VMEM((B_PER_W,), jnp.float32),
        pltpu.SemaphoreType.DMA,
        pltpu.SemaphoreType.DMA,
        pltpu.SemaphoreType.DMA,
        pltpu.SemaphoreType.DMA,
    ],
)
def _sc_linear(idx_hbm, vals_hbm, w_hbm, out_hbm, idx_v, rows_v, vals_v,
               out_v, sem0, sem1, sem2, sem3):
    sems = (sem0, sem1, sem2, sem3)
    w = lax.axis_index("c") * NS + lax.axis_index("s")
    gathers = []
    for k, (lo, hi) in enumerate(FIELD_GROUPS):
        sl = pl.ds(lo * B_PER_W, (hi - lo) * B_PER_W)
        pltpu.sync_copy(idx_hbm.at[w, sl], idx_v.at[sl])
        gathers.append(
            pltpu.async_copy(w_hbm.at[0].at[idx_v.at[sl]], rows_v.at[sl],
                             sems[k]))
    pltpu.sync_copy(vals_hbm.at[w], vals_v)

    for k, (lo, hi) in enumerate(FIELD_GROUPS):
        gathers[k].wait()

        def body(s, carry, lo=lo, hi=hi, first=(k == 0)):
            base = s * LANES
            acc = (jnp.zeros((LANES,), jnp.float32) if first
                   else out_v[pl.ds(base, LANES)])
            for j in range(lo, hi):
                off = pl.ds(j * B_PER_W + base, LANES)
                acc = acc + rows_v[off] * vals_v[off]
            out_v[pl.ds(base, LANES)] = acc
            return carry

        lax.fori_loop(0, N_VECS, body, 0)
    pltpu.sync_copy(out_v, out_hbm.at[pl.ds(w * B_PER_W, B_PER_W)])


def kernel(feature_idx, feature_vals, W, b):
    idx = (feature_idx.astype(jnp.int32)
           .reshape(NW, B_PER_W, N_FIELDS).transpose(0, 2, 1)
           .reshape(NW, CHUNK))
    vals = (feature_vals.reshape(NW, B_PER_W, N_FIELDS).transpose(0, 2, 1)
            .reshape(NW, CHUNK))
    out = _sc_linear(idx, vals, W.T)
    return out.reshape(BATCH, 1) + b

# --- scband reference (transcript-rebuilt; emitter-appended) ---
"""Pipeline reference for scband-linear-layer-77558519431745 (READ-ONLY COPY).

The authoritative reference and input builder live on the scoring server;
editing this copy changes nothing except your own understanding.
"""

import jax, jax.numpy as jnp
import numpy as np

FEATURE_DIM = 1000000
BATCH = 16384
N_FIELDS = 26

def setup_inputs(seed: int = 0) -> dict:
    key = jax.random.key(seed)
    k1, k2, k3 = jax.random.split(key, 3)
    feature_idx = jax.random.randint(k1, (BATCH, N_FIELDS), 0, FEATURE_DIM, dtype=jnp.int64 if jax.config.jax_enable_x64 else jnp.int32)
    feature_vals = jax.random.uniform(k2, (BATCH, N_FIELDS), dtype=jnp.float32)
    W = jax.random.normal(k3, (FEATURE_DIM, 1), dtype=jnp.float32) * 0.05
    b = jnp.zeros((1,), dtype=jnp.float32)
    return {"feature_idx": feature_idx, "feature_vals": feature_vals, "W": W, "b": b}

def reference(feature_idx, feature_vals, W, b):
    # Equivalent of tf.sparse.sparse_dense_matmul(feature, W) + b where
    # feature is a [batch, feature_dim] sparse matrix with per-row nnz = N_FIELDS:
    # out[i] = sum_j W[feature_idx[i, j], 0] * feature_vals[i, j] + b
    gathered = jnp.take(W[:, 0], feature_idx, axis=0)  # [B, F] gather from embedding-style table
    linear_term = jnp.sum(gathered * feature_vals, axis=1, keepdims=True) + b
    return linear_term

if __name__ == "__main__":
    import jax
    _d = setup_inputs()
    print(jax.jit(kernel)(*tuple(_d.values())))

</pallas_src>

<mosaic_0001>
#map = affine_map<(d0, d1) -> (0, 0)>
#map1 = affine_map<(d0, d1) -> (0)>
module attributes {stable_mosaic.version = 14 : i64} {
  func.func @_sc_linear(%arg0: i32, %arg1: i32, %arg2: memref<32x13312xi32, #tpu.memory_space<hbm>>, %arg3: memref<32x13312xf32, #tpu.memory_space<hbm>>, %arg4: memref<1x1000000xf32, #tpu.memory_space<hbm>>, %arg5: memref<16384xf32, #tpu.memory_space<hbm>>, %arg6: memref<13312xi32, #tpu.memory_space<vmem>>, %arg7: memref<13312xf32, #tpu.memory_space<vmem>>, %arg8: memref<13312xf32, #tpu.memory_space<vmem>>, %arg9: memref<512xf32, #tpu.memory_space<vmem>>, %arg10: memref<!tpu.dma_semaphore, #tpu.memory_space<semaphore_mem>>, %arg11: memref<!tpu.dma_semaphore, #tpu.memory_space<semaphore_mem>>, %arg12: memref<!tpu.dma_semaphore, #tpu.memory_space<semaphore_mem>>, %arg13: memref<!tpu.dma_semaphore, #tpu.memory_space<semaphore_mem>>) attributes {dimension_semantics = [#tpu.dimension_semantics<core_parallel>, #tpu.dimension_semantics<subcore_parallel>], iteration_bounds = array<i64: 2, 16>, scalar_prefetch = 0 : i64, scratch_operands = 8 : i64, tpu.core_type = #tpu.core_type<sc_vector_subcore>, window_params = [{transform_indices = #map}, {transform_indices = #map}, {transform_indices = #map}, {transform_indices = #map1}]} {
    %mul3A = arith.constant 16 : i32
    %mul3A_0 = arith.muli %arg0, %mul3A : i32
    %add3A = arith.addi %mul3A_0, %arg1 : i32
    "tpu.region"() ({
      %run_scoped3A = tpu.sem_alloc : memref<!tpu.dma_semaphore, #tpu.memory_space<semaphore_mem>>
      %dma_start3A_104 = arith.constant 0 : i32
      %dma_start3A_105 = tpu.memref_slice %arg6[%dma_start3A_104] : memref<13312xi32, #tpu.memory_space<vmem>> -> memref<3584xi32, #tpu.memory_space<vmem>>
      %dma_start3A_106 = arith.constant 0 : i32
      %dma_start3A_107 = tpu.memref_slice %arg2[%add3A, %dma_start3A_106] : memref<32x13312xi32, #tpu.memory_space<hbm>> -> memref<1x3584xi32, #tpu.memory_space<hbm>>
      %dma_start3A_108 = tpu.memref_squeeze %dma_start3A_107 : memref<1x3584xi32, #tpu.memory_space<hbm>> -> memref<3584xi32, #tpu.memory_space<hbm>>
      %dma_start3A_109 = arith.constant 0 : i32
      %dma_start3A_110 = tpu.memref_slice %arg6[%dma_start3A_109] : memref<13312xi32, #tpu.memory_space<vmem>> -> memref<3584xi32, #tpu.memory_space<vmem>>
      %dma_start3A_111 = arith.constant 0 : i32
      %dma_start3A_112 = tpu.memref_slice %arg2[%add3A, %dma_start3A_111] : memref<32x13312xi32, #tpu.memory_space<hbm>> -> memref<1x3584xi32, #tpu.memory_space<hbm>>
      %dma_start3A_113 = tpu.memref_squeeze %dma_start3A_112 : memref<1x3584xi32, #tpu.memory_space<hbm>> -> memref<3584xi32, #tpu.memory_space<hbm>>
      tpu.enqueue_dma source(%dma_start3A_113 : memref<3584xi32, #tpu.memory_space<hbm>>) target(%dma_start3A_110 : memref<3584xi32, #tpu.memory_space<vmem>>) target_semaphore(%run_scoped3A : memref<!tpu.dma_semaphore, #tpu.memory_space<semaphore_mem>>)
      %dma_wait3A_114 = arith.constant 0 : i32
      %dma_wait3A_115 = tpu.memref_slice %arg6[%dma_wait3A_114] : memref<13312xi32, #tpu.memory_space<vmem>> -> memref<3584xi32, #tpu.memory_space<vmem>>
      %dma_wait3A_116 = arith.constant 0 : i32
      %dma_wait3A_117 = tpu.memref_slice %arg2[%add3A, %dma_wait3A_116] : memref<32x13312xi32, #tpu.memory_space<hbm>> -> memref<1x3584xi32, #tpu.memory_space<hbm>>
      %dma_wait3A_118 = tpu.memref_squeeze %dma_wait3A_117 : memref<1x3584xi32, #tpu.memory_space<hbm>> -> memref<3584xi32, #tpu.memory_space<hbm>>
      %dma_wait3A_119 = arith.constant 0 : i32
      %dma_wait3A_120 = tpu.memref_slice %arg6[%dma_wait3A_119] : memref<13312xi32, #tpu.memory_space<vmem>> -> memref<3584xi32, #tpu.memory_space<vmem>>
      %dma_wait3A_121 = arith.constant 0 : i32
      %dma_wait3A_122 = tpu.memref_slice %arg2[%add3A, %dma_wait3A_121] : memref<32x13312xi32, #tpu.memory_space<hbm>> -> memref<1x3584xi32, #tpu.memory_space<hbm>>
      %dma_wait3A_123 = tpu.memref_squeeze %dma_wait3A_122 : memref<1x3584xi32, #tpu.memory_space<hbm>> -> memref<3584xi32, #tpu.memory_space<hbm>>
      tpu.wait_dma2 semaphore(%run_scoped3A : memref<!tpu.dma_semaphore, #tpu.memory_space<semaphore_mem>>) src(%dma_wait3A_123 : memref<3584xi32, #tpu.memory_space<hbm>>) dst(%dma_wait3A_120 : memref<3584xi32, #tpu.memory_space<vmem>>)
      tpu.yield
    }) : () -> ()
    %dma_start3A = arith.constant 0 : i32
    %dma_start3A_1 = arith.constant 0 : i32
    %dma_start3A_2 = tpu.memref_slice %arg7[%dma_start3A_1] : memref<13312xf32, #tpu.memory_space<vmem>> -> memref<3584xf32, #tpu.memory_space<vmem>>
    %dma_start3A_3 = arith.constant 0 : i32
    %dma_start3A_4 = tpu.memref_slice %arg6[%dma_start3A_3] : memref<13312xi32, #tpu.memory_space<vmem>> -> memref<3584xi32, #tpu.memory_space<vmem>>
    %dma_start3A_5 = arith.constant 0 : i32
    %dma_start3A_6 = tpu.memref_slice %arg4[%dma_start3A, %dma_start3A_5] : memref<1x1000000xf32, #tpu.memory_space<hbm>> -> memref<1x1000000xf32, #tpu.memory_space<hbm>>
    %dma_start3A_7 = tpu.memref_squeeze %dma_start3A_6 : memref<1x1000000xf32, #tpu.memory_space<hbm>> -> memref<1000000xf32, #tpu.memory_space<hbm>>
    %dma_start3A_8 = arith.constant 0 : i32
    %dma_start3A_9 = tpu.memref_slice %dma_start3A_7[%dma_start3A_8] : memref<1000000xf32, #tpu.memory_space<hbm>> -> memref<1000000xf32, #tpu.memory_space<hbm>>
    tpu.enqueue_indirect_dma source(%dma_start3A_9 : memref<1000000xf32, #tpu.memory_space<hbm>>) target(%dma_start3A_2 : memref<3584xf32, #tpu.memory_space<vmem>>) offsets(%dma_start3A_4 : memref<3584xi32, #tpu.memory_space<vmem>>) semaphore(%arg10 : memref<!tpu.dma_semaphore, #tpu.memory_space<semaphore_mem>>)
    "tpu.region"() ({
      %run_scoped3A = tpu.sem_alloc : memref<!tpu.dma_semaphore, #tpu.memory_space<semaphore_mem>>
      %dma_start3A_104 = arith.constant 3584 : i32
      %dma_start3A_105 = tpu.memref_slice %arg6[%dma_start3A_104] : memref<13312xi32, #tpu.memory_space<vmem>> -> memref<3584xi32, #tpu.memory_space<vmem>>
      %dma_start3A_106 = arith.constant 3584 : i32
      %dma_start3A_107 = tpu.memref_slice %arg2[%add3A, %dma_start3A_106] : memref<32x13312xi32, #tpu.memory_space<hbm>> -> memref<1x3584xi32, #tpu.memory_space<hbm>>
      %dma_start3A_108 = tpu.memref_squeeze %dma_start3A_107 : memref<1x3584xi32, #tpu.memory_space<hbm>> -> memref<3584xi32, #tpu.memory_space<hbm>>
      %dma_start3A_109 = arith.constant 3584 : i32
      %dma_start3A_110 = tpu.memref_slice %arg6[%dma_start3A_109] : memref<13312xi32, #tpu.memory_space<vmem>> -> memref<3584xi32, #tpu.memory_space<vmem>>
      %dma_start3A_111 = arith.constant 3584 : i32
      %dma_start3A_112 = tpu.memref_slice %arg2[%add3A, %dma_start3A_111] : memref<32x13312xi32, #tpu.memory_space<hbm>> -> memref<1x3584xi32, #tpu.memory_space<hbm>>
      %dma_start3A_113 = tpu.memref_squeeze %dma_start3A_112 : memref<1x3584xi32, #tpu.memory_space<hbm>> -> memref<3584xi32, #tpu.memory_space<hbm>>
      tpu.enqueue_dma source(%dma_start3A_113 : memref<3584xi32, #tpu.memory_space<hbm>>) target(%dma_start3A_110 : memref<3584xi32, #tpu.memory_space<vmem>>) target_semaphore(%run_scoped3A : memref<!tpu.dma_semaphore, #tpu.memory_space<semaphore_mem>>)
      %dma_wait3A_114 = arith.constant 3584 : i32
      %dma_wait3A_115 = tpu.memref_slice %arg6[%dma_wait3A_114] : memref<13312xi32, #tpu.memory_space<vmem>> -> memref<3584xi32, #tpu.memory_space<vmem>>
      %dma_wait3A_116 = arith.constant 3584 : i32
      %dma_wait3A_117 = tpu.memref_slice %arg2[%add3A, %dma_wait3A_116] : memref<32x13312xi32, #tpu.memory_space<hbm>> -> memref<1x3584xi32, #tpu.memory_space<hbm>>
      %dma_wait3A_118 = tpu.memref_squeeze %dma_wait3A_117 : memref<1x3584xi32, #tpu.memory_space<hbm>> -> memref<3584xi32, #tpu.memory_space<hbm>>
      %dma_wait3A_119 = arith.constant 3584 : i32
      %dma_wait3A_120 = tpu.memref_slice %arg6[%dma_wait3A_119] : memref<13312xi32, #tpu.memory_space<vmem>> -> memref<3584xi32, #tpu.memory_space<vmem>>
      %dma_wait3A_121 = arith.constant 3584 : i32
      %dma_wait3A_122 = tpu.memref_slice %arg2[%add3A, %dma_wait3A_121] : memref<32x13312xi32, #tpu.memory_space<hbm>> -> memref<1x3584xi32, #tpu.memory_space<hbm>>
      %dma_wait3A_123 = tpu.memref_squeeze %dma_wait3A_122 : memref<1x3584xi32, #tpu.memory_space<hbm>> -> memref<3584xi32, #tpu.memory_space<hbm>>
      tpu.wait_dma2 semaphore(%run_scoped3A : memref<!tpu.dma_semaphore, #tpu.memory_space<semaphore_mem>>) src(%dma_wait3A_123 : memref<3584xi32, #tpu.memory_space<hbm>>) dst(%dma_wait3A_120 : memref<3584xi32, #tpu.memory_space<vmem>>)
      tpu.yield
    }) : () -> ()
    %dma_start3A_10 = arith.constant 0 : i32
    %dma_start3A_11 = arith.constant 3584 : i32
    %dma_start3A_12 = tpu.memref_slice %arg7[%dma_start3A_11] : memref<13312xf32, #tpu.memory_space<vmem>> -> memref<3584xf32, #tpu.memory_space<vmem>>
    %dma_start3A_13 = arith.constant 3584 : i32
    %dma_start3A_14 = tpu.memref_slice %arg6[%dma_start3A_13] : memref<13312xi32, #tpu.memory_space<vmem>> -> memref<3584xi32, #tpu.memory_space<vmem>>
    %dma_start3A_15 = arith.constant 0 : i32
    %dma_start3A_16 = tpu.memref_slice %arg4[%dma_start3A_10, %dma_start3A_15] : memref<1x1000000xf32, #tpu.memory_space<hbm>> -> memref<1x1000000xf32, #tpu.memory_space<hbm>>
    %dma_start3A_17 = tpu.memref_squeeze %dma_start3A_16 : memref<1x1000000xf32, #tpu.memory_space<hbm>> -> memref<1000000xf32, #tpu.memory_space<hbm>>
    %dma_start3A_18 = arith.constant 0 : i32
    %dma_start3A_19 = tpu.memref_slice %dma_start3A_17[%dma_start3A_18] : memref<1000000xf32, #tpu.memory_space<hbm>> -> memref<1000000xf32, #tpu.memory_space<hbm>>
    tpu.enqueue_indirect_dma source(%dma_start3A_19 : memref<1000000xf32, #tpu.memory_space<hbm>>) target(%dma_start3A_12 : memref<3584xf32, #tpu.memory_space<vmem>>) offsets(%dma_start3A_14 : memref<3584xi32, #tpu.memory_space<vmem>>) semaphore(%arg11 : memref<!tpu.dma_semaphore, #tpu.memory_space<semaphore_mem>>)
    "tpu.region"() ({
      %run_scoped3A = tpu.sem_alloc : memref<!tpu.dma_semaphore, #tpu.memory_space<semaphore_mem>>
      %dma_start3A_104 = arith.constant 7168 : i32
      %dma_start3A_105 = tpu.memref_slice %arg6[%dma_start3A_104] : memref<13312xi32, #tpu.memory_space<vmem>> -> memref<3072xi32, #tpu.memory_space<vmem>>
      %dma_start3A_106 = arith.constant 7168 : i32
      %dma_start3A_107 = tpu.memref_slice %arg2[%add3A, %dma_start3A_106] : memref<32x13312xi32, #tpu.memory_space<hbm>> -> memref<1x3072xi32, #tpu.memory_space<hbm>>
      %dma_start3A_108 = tpu.memref_squeeze %dma_start3A_107 : memref<1x3072xi32, #tpu.memory_space<hbm>> -> memref<3072xi32, #tpu.memory_space<hbm>>
      %dma_start3A_109 = arith.constant 7168 : i32
      %dma_start3A_110 = tpu.memref_slice %arg6[%dma_start3A_109] : memref<13312xi32, #tpu.memory_space<vmem>> -> memref<3072xi32, #tpu.memory_space<vmem>>
      %dma_start3A_111 = arith.constant 7168 : i32
      %dma_start3A_112 = tpu.memref_slice %arg2[%add3A, %dma_start3A_111] : memref<32x13312xi32, #tpu.memory_space<hbm>> -> memref<1x3072xi32, #tpu.memory_space<hbm>>
      %dma_start3A_113 = tpu.memref_squeeze %dma_start3A_112 : memref<1x3072xi32, #tpu.memory_space<hbm>> -> memref<3072xi32, #tpu.memory_space<hbm>>
      tpu.enqueue_dma source(%dma_start3A_113 : memref<3072xi32, #tpu.memory_space<hbm>>) target(%dma_start3A_110 : memref<3072xi32, #tpu.memory_space<vmem>>) target_semaphore(%run_scoped3A : memref<!tpu.dma_semaphore, #tpu.memory_space<semaphore_mem>>)
      %dma_wait3A_114 = arith.constant 7168 : i32
      %dma_wait3A_115 = tpu.memref_slice %arg6[%dma_wait3A_114] : memref<13312xi32, #tpu.memory_space<vmem>> -> memref<3072xi32, #tpu.memory_space<vmem>>
      %dma_wait3A_116 = arith.constant 7168 : i32
      %dma_wait3A_117 = tpu.memref_slice %arg2[%add3A, %dma_wait3A_116] : memref<32x13312xi32, #tpu.memory_space<hbm>> -> memref<1x3072xi32, #tpu.memory_space<hbm>>
      %dma_wait3A_118 = tpu.memref_squeeze %dma_wait3A_117 : memref<1x3072xi32, #tpu.memory_space<hbm>> -> memref<3072xi32, #tpu.memory_space<hbm>>
      %dma_wait3A_119 = arith.constant 7168 : i32
      %dma_wait3A_120 = tpu.memref_slice %arg6[%dma_wait3A_119] : memref<13312xi32, #tpu.memory_space<vmem>> -> memref<3072xi32, #tpu.memory_space<vmem>>
      %dma_wait3A_121 = arith.constant 7168 : i32
      %dma_wait3A_122 = tpu.memref_slice %arg2[%add3A, %dma_wait3A_121] : memref<32x13312xi32, #tpu.memory_space<hbm>> -> memref<1x3072xi32, #tpu.memory_space<hbm>>
      %dma_wait3A_123 = tpu.memref_squeeze %dma_wait3A_122 : memref<1x3072xi32, #tpu.memory_space<hbm>> -> memref<3072xi32, #tpu.memory_space<hbm>>
      tpu.wait_dma2 semaphore(%run_scoped3A : memref<!tpu.dma_semaphore, #tpu.memory_space<semaphore_mem>>) src(%dma_wait3A_123 : memref<3072xi32, #tpu.memory_space<hbm>>) dst(%dma_wait3A_120 : memref<3072xi32, #tpu.memory_space<vmem>>)
      tpu.yield
    }) : () -> ()
    %dma_start3A_20 = arith.constant 0 : i32
    %dma_start3A_21 = arith.constant 7168 : i32
    %dma_start3A_22 = tpu.memref_slice %arg7[%dma_start3A_21] : memref<13312xf32, #tpu.memory_space<vmem>> -> memref<3072xf32, #tpu.memory_space<vmem>>
    %dma_start3A_23 = arith.constant 7168 : i32
    %dma_start3A_24 = tpu.memref_slice %arg6[%dma_start3A_23] : memref<13312xi32, #tpu.memory_space<vmem>> -> memref<3072xi32, #tpu.memory_space<vmem>>
    %dma_start3A_25 = arith.constant 0 : i32
    %dma_start3A_26 = tpu.memref_slice %arg4[%dma_start3A_20, %dma_start3A_25] : memref<1x1000000xf32, #tpu.memory_space<hbm>> -> memref<1x1000000xf32, #tpu.memory_space<hbm>>
    %dma_start3A_27 = tpu.memref_squeeze %dma_start3A_26 : memref<1x1000000xf32, #tpu.memory_space<hbm>> -> memref<1000000xf32, #tpu.memory_space<hbm>>
    %dma_start3A_28 = arith.constant 0 : i32
    %dma_start3A_29 = tpu.memref_slice %dma_start3A_27[%dma_start3A_28] : memref<1000000xf32, #tpu.memory_space<hbm>> -> memref<1000000xf32, #tpu.memory_space<hbm>>
    tpu.enqueue_indirect_dma source(%dma_start3A_29 : memref<1000000xf32, #tpu.memory_space<hbm>>) target(%dma_start3A_22 : memref<3072xf32, #tpu.memory_space<vmem>>) offsets(%dma_start3A_24 : memref<3072xi32, #tpu.memory_space<vmem>>) semaphore(%arg12 : memref<!tpu.dma_semaphore, #tpu.memory_space<semaphore_mem>>)
    "tpu.region"() ({
      %run_scoped3A = tpu.sem_alloc : memref<!tpu.dma_semaphore, #tpu.memory_space<semaphore_mem>>
      %dma_start3A_104 = arith.constant 10240 : i32
      %dma_start3A_105 = tpu.memref_slice %arg6[%dma_start3A_104] : memref<13312xi32, #tpu.memory_space<vmem>> -> memref<3072xi32, #tpu.memory_space<vmem>>
      %dma_start3A_106 = arith.constant 10240 : i32
      %dma_start3A_107 = tpu.memref_slice %arg2[%add3A, %dma_start3A_106] : memref<32x13312xi32, #tpu.memory_space<hbm>> -> memref<1x3072xi32, #tpu.memory_space<hbm>>
      %dma_start3A_108 = tpu.memref_squeeze %dma_start3A_107 : memref<1x3072xi32, #tpu.memory_space<hbm>> -> memref<3072xi32, #tpu.memory_space<hbm>>
      %dma_start3A_109 = arith.constant 10240 : i32
      %dma_start3A_110 = tpu.memref_slice %arg6[%dma_start3A_109] : memref<13312xi32, #tpu.memory_space<vmem>> -> memref<3072xi32, #tpu.memory_space<vmem>>
      %dma_start3A_111 = arith.constant 10240 : i32
      %dma_start3A_112 = tpu.memref_slice %arg2[%add3A, %dma_start3A_111] : memref<32x13312xi32, #tpu.memory_space<hbm>> -> memref<1x3072xi32, #tpu.memory_space<hbm>>
      %dma_start3A_113 = tpu.memref_squeeze %dma_start3A_112 : memref<1x3072xi32, #tpu.memory_space<hbm>> -> memref<3072xi32, #tpu.memory_space<hbm>>
      tpu.enqueue_dma source(%dma_start3A_113 : memref<3072xi32, #tpu.memory_space<hbm>>) target(%dma_start3A_110 : memref<3072xi32, #tpu.memory_space<vmem>>) target_semaphore(%run_scoped3A : memref<!tpu.dma_semaphore, #tpu.memory_space<semaphore_mem>>)
      %dma_wait3A_114 = arith.constant 10240 : i32
      %dma_wait3A_115 = tpu.memref_slice %arg6[%dma_wait3A_114] : memref<13312xi32, #tpu.memory_space<vmem>> -> memref<3072xi32, #tpu.memory_space<vmem>>
      %dma_wait3A_116 = arith.constant 10240 : i32
      %dma_wait3A_117 = tpu.memref_slice %arg2[%add3A, %dma_wait3A_116] : memref<32x13312xi32, #tpu.memory_space<hbm>> -> memref<1x3072xi32, #tpu.memory_space<hbm>>
      %dma_wait3A_118 = tpu.memref_squeeze %dma_wait3A_117 : memref<1x3072xi32, #tpu.memory_space<hbm>> -> memref<3072xi32, #tpu.memory_space<hbm>>
      %dma_wait3A_119 = arith.constant 10240 : i32
      %dma_wait3A_120 = tpu.memref_slice %arg6[%dma_wait3A_119] : memref<13312xi32, #tpu.memory_space<vmem>> -> memref<3072xi32, #tpu.memory_space<vmem>>
      %dma_wait3A_121 = arith.constant 10240 : i32
      %dma_wait3A_122 = tpu.memref_slice %arg2[%add3A, %dma_wait3A_121] : memref<32x13312xi32, #tpu.memory_space<hbm>> -> memref<1x3072xi32, #tpu.memory_space<hbm>>
      %dma_wait3A_123 = tpu.memref_squeeze %dma_wait3A_122 : memref<1x3072xi32, #tpu.memory_space<hbm>> -> memref<3072xi32, #tpu.memory_space<hbm>>
      tpu.wait_dma2 semaphore(%run_scoped3A : memref<!tpu.dma_semaphore, #tpu.memory_space<semaphore_mem>>) src(%dma_wait3A_123 : memref<3072xi32, #tpu.memory_space<hbm>>) dst(%dma_wait3A_120 : memref<3072xi32, #tpu.memory_space<vmem>>)
      tpu.yield
    }) : () -> ()
    %dma_start3A_30 = arith.constant 0 : i32
    %dma_start3A_31 = arith.constant 10240 : i32
    %dma_start3A_32 = tpu.memref_slice %arg7[%dma_start3A_31] : memref<13312xf32, #tpu.memory_space<vmem>> -> memref<3072xf32, #tpu.memory_space<vmem>>
    %dma_start3A_33 = arith.constant 10240 : i32
    %dma_start3A_34 = tpu.memref_slice %arg6[%dma_start3A_33] : memref<13312xi32, #tpu.memory_space<vmem>> -> memref<3072xi32, #tpu.memory_space<vmem>>
    %dma_start3A_35 = arith.constant 0 : i32
    %dma_start3A_36 = tpu.memref_slice %arg4[%dma_start3A_30, %dma_start3A_35] : memref<1x1000000xf32, #tpu.memory_space<hbm>> -> memref<1x1000000xf32, #tpu.memory_space<hbm>>
    %dma_start3A_37 = tpu.memref_squeeze %dma_start3A_36 : memref<1x1000000xf32, #tpu.memory_space<hbm>> -> memref<1000000xf32, #tpu.memory_space<hbm>>
    %dma_start3A_38 = arith.constant 0 : i32
    %dma_start3A_39 = tpu.memref_slice %dma_start3A_37[%dma_start3A_38] : memref<1000000xf32, #tpu.memory_space<hbm>> -> memref<1000000xf32, #tpu.memory_space<hbm>>
    tpu.enqueue_indirect_dma source(%dma_start3A_39 : memref<1000000xf32, #tpu.memory_space<hbm>>) target(%dma_start3A_32 : memref<3072xf32, #tpu.memory_space<vmem>>) offsets(%dma_start3A_34 : memref<3072xi32, #tpu.memory_space<vmem>>) semaphore(%arg13 : memref<!tpu.dma_semaphore, #tpu.memory_space<semaphore_mem>>)
    "tpu.region"() ({
      %run_scoped3A = tpu.sem_alloc : memref<!tpu.dma_semaphore, #tpu.memory_space<semaphore_mem>>
      %dma_start3A_104 = arith.constant 0 : i32
      %dma_start3A_105 = tpu.memref_slice %arg3[%add3A, %dma_start3A_104] : memref<32x13312xf32, #tpu.memory_space<hbm>> -> memref<1x13312xf32, #tpu.memory_space<hbm>>
      %dma_start3A_106 = tpu.memref_squeeze %dma_start3A_105 : memref<1x13312xf32, #tpu.memory_space<hbm>> -> memref<13312xf32, #tpu.memory_space<hbm>>
      %dma_start3A_107 = arith.constant 0 : i32
      %dma_start3A_108 = tpu.memref_slice %arg3[%add3A, %dma_start3A_107] : memref<32x13312xf32, #tpu.memory_space<hbm>> -> memref<1x13312xf32, #tpu.memory_space<hbm>>
      %dma_start3A_109 = tpu.memref_squeeze %dma_start3A_108 : memref<1x13312xf32, #tpu.memory_space<hbm>> -> memref<13312xf32, #tpu.memory_space<hbm>>
      tpu.enqueue_dma source(%dma_start3A_109 : memref<13312xf32, #tpu.memory_space<hbm>>) target(%arg8 : memref<13312xf32, #tpu.memory_space<vmem>>) target_semaphore(%run_scoped3A : memref<!tpu.dma_semaphore, #tpu.memory_space<semaphore_mem>>)
      %dma_wait3A_110 = arith.constant 0 : i32
      %dma_wait3A_111 = tpu.memref_slice %arg3[%add3A, %dma_wait3A_110] : memref<32x13312xf32, #tpu.memory_space<hbm>> -> memref<1x13312xf32, #tpu.memory_space<hbm>>
      %dma_wait3A_112 = tpu.memref_squeeze %dma_wait3A_111 : memref<1x13312xf32, #tpu.memory_space<hbm>> -> memref<13312xf32, #tpu.memory_space<hbm>>
      %dma_wait3A_113 = arith.constant 0 : i32
      %dma_wait3A_114 = tpu.memref_slice %arg3[%add3A, %dma_wait3A_113] : memref<32x13312xf32, #tpu.memory_space<hbm>> -> memref<1x13312xf32, #tpu.memory_space<hbm>>
      %dma_wait3A_115 = tpu.memref_squeeze %dma_wait3A_114 : memref<1x13312xf32, #tpu.memory_space<hbm>> -> memref<13312xf32, #tpu.memory_space<hbm>>
      tpu.wait_dma2 semaphore(%run_scoped3A : memref<!tpu.dma_semaphore, #tpu.memory_space<semaphore_mem>>) src(%dma_wait3A_115 : memref<13312xf32, #tpu.memory_space<hbm>>) dst(%arg8 : memref<13312xf32, #tpu.memory_space<vmem>>)
      tpu.yield
    }) : () -> ()
    %dma_wait3A = arith.constant 0 : i32
    %dma_wait3A_40 = arith.constant 0 : i32
    %dma_wait3A_41 = tpu.memref_slice %arg7[%dma_wait3A_40] : memref<13312xf32, #tpu.memory_space<vmem>> -> memref<3584xf32, #tpu.memory_space<vmem>>
    %dma_wait3A_42 = arith.constant 0 : i32
    %dma_wait3A_43 = tpu.memref_slice %arg6[%dma_wait3A_42] : memref<13312xi32, #tpu.memory_space<vmem>> -> memref<3584xi32, #tpu.memory_space<vmem>>
    %dma_wait3A_44 = arith.constant 0 : i32
    %dma_wait3A_45 = tpu.memref_slice %arg4[%dma_wait3A, %dma_wait3A_44] : memref<1x1000000xf32, #tpu.memory_space<hbm>> -> memref<1x1000000xf32, #tpu.memory_space<hbm>>
    %dma_wait3A_46 = tpu.memref_squeeze %dma_wait3A_45 : memref<1x1000000xf32, #tpu.memory_space<hbm>> -> memref<1000000xf32, #tpu.memory_space<hbm>>
    %dma_wait3A_47 = arith.constant 0 : i32
    %dma_wait3A_48 = tpu.memref_slice %dma_wait3A_46[%dma_wait3A_47] : memref<1000000xf32, #tpu.memory_space<hbm>> -> memref<1000000xf32, #tpu.memory_space<hbm>>
    tpu.wait_indirect_dma semaphore(%arg10 : memref<!tpu.dma_semaphore, #tpu.memory_space<semaphore_mem>>) src(%dma_wait3A_48 : memref<1000000xf32, #tpu.memory_space<hbm>>) dst(%dma_wait3A_41 : memref<3584xf32, #tpu.memory_space<vmem>>)
    %scan3A = arith.constant 0 : i32
    %scan3A_49 = arith.constant 0 : i32
    %scan3A_50 = arith.constant 32 : i32
    %scan3A_51 = arith.addi %scan3A_49, %scan3A_50 : i32
    %scan3A_52 = arith.constant 1 : i32
    scf.for %scan3A_104 = %scan3A_49 to %scan3A_51 step %scan3A_52  : i32 {
      %mul3A_105 = arith.constant 16 : i32
      %mul3A_106 = arith.muli %scan3A_104, %mul3A_105 : i32
      %broadcast_in_dim3A = arith.constant 0.000000e+00 : f32
      %broadcast_in_dim3A_107 = vector.broadcast %broadcast_in_dim3A : f32 to vector<16xf32>
      %add3A_108 = arith.constant 0 : i32
      %add3A_109 = arith.addi %add3A_108, %mul3A_106 : i32
      %get3A = arith.index_cast %add3A_109 : i32 to index
      %get3A_110 = tpu.vector_load %arg7[%get3A] {strides = array<i32>} : memref<13312xf32, #tpu.memory_space<vmem>>, vector<16xf32>,
      %get3A_111 = arith.index_cast %add3A_109 : i32 to index
      %get3A_112 = tpu.vector_load %arg8[%get3A_111] {strides = array<i32>} : memref<13312xf32, #tpu.memory_space<vmem>>, vector<16xf32>,
      %mul3A_113 = arith.mulf %get3A_110, %get3A_112 : vector<16xf32>
      %add3A_114 = arith.addf %broadcast_in_dim3A_107, %mul3A_113 : vector<16xf32>
      %add3A_115 = arith.constant 512 : i32
      %add3A_116 = arith.addi %add3A_115, %mul3A_106 : i32
      %get3A_117 = arith.index_cast %add3A_116 : i32 to index
      %get3A_118 = tpu.vector_load %arg7[%get3A_117] {strides = array<i32>} : memref<13312xf32, #tpu.memory_space<vmem>>, vector<16xf32>,
      %get3A_119 = arith.index_cast %add3A_116 : i32 to index
      %get3A_120 = tpu.vector_load %arg8[%get3A_119] {strides = array<i32>} : memref<13312xf32, #tpu.memory_space<vmem>>, vector<16xf32>,
      %mul3A_121 = arith.mulf %get3A_118, %get3A_120 : vector<16xf32>
      %add3A_122 = arith.addf %add3A_114, %mul3A_121 : vector<16xf32>
      %add3A_123 = arith.constant 1024 : i32
      %add3A_124 = arith.addi %add3A_123, %mul3A_106 : i32
      %get3A_125 = arith.index_cast %add3A_124 : i32 to index
      %get3A_126 = tpu.vector_load %arg7[%get3A_125] {strides = array<i32>} : memref<13312xf32, #tpu.memory_space<vmem>>, vector<16xf32>,
      %get3A_127 = arith.index_cast %add3A_124 : i32 to index
      %get3A_128 = tpu.vector_load %arg8[%get3A_127] {strides = array<i32>} : memref<13312xf32, #tpu.memory_space<vmem>>, vector<16xf32>,
      %mul3A_129 = arith.mulf %get3A_126, %get3A_128 : vector<16xf32>
      %add3A_130 = arith.addf %add3A_122, %mul3A_129 : vector<16xf32>
      %add3A_131 = arith.constant 1536 : i32
      %add3A_132 = arith.addi %add3A_131, %mul3A_106 : i32
      %get3A_133 = arith.index_cast %add3A_132 : i32 to index
      %get3A_134 = tpu.vector_load %arg7[%get3A_133] {strides = array<i32>} : memref<13312xf32, #tpu.memory_space<vmem>>, vector<16xf32>,
      %get3A_135 = arith.index_cast %add3A_132 : i32 to index
      %get3A_136 = tpu.vector_load %arg8[%get3A_135] {strides = array<i32>} : memref<13312xf32, #tpu.memory_space<vmem>>, vector<16xf32>,
      %mul3A_137 = arith.mulf %get3A_134, %get3A_136 : vector<16xf32>
      %add3A_138 = arith.addf %add3A_130, %mul3A_137 : vector<16xf32>
      %add3A_139 = arith.constant 2048 : i32
      %add3A_140 = arith.addi %add3A_139, %mul3A_106 : i32
      %get3A_141 = arith.index_cast %add3A_140 : i32 to index
      %get3A_142 = tpu.vector_load %arg7[%get3A_141] {strides = array<i32>} : memref<13312xf32, #tpu.memory_space<vmem>>, vector<16xf32>,
      %get3A_143 = arith.index_cast %add3A_140 : i32 to index
      %get3A_144 = tpu.vector_load %arg8[%get3A_143] {strides = array<i32>} : memref<13312xf32, #tpu.memory_space<vmem>>, vector<16xf32>,
      %mul3A_145 = arith.mulf %get3A_142, %get3A_144 : vector<16xf32>
      %add3A_146 = arith.addf %add3A_138, %mul3A_145 : vector<16xf32>
      %add3A_147 = arith.constant 2560 : i32
      %add3A_148 = arith.addi %add3A_147, %mul3A_106 : i32
      %get3A_149 = arith.index_cast %add3A_148 : i32 to index
      %get3A_150 = tpu.vector_load %arg7[%get3A_149] {strides = array<i32>} : memref<13312xf32, #tpu.memory_space<vmem>>, vector<16xf32>,
      %get3A_151 = arith.index_cast %add3A_148 : i32 to index
      %get3A_152 = tpu.vector_load %arg8[%get3A_151] {strides = array<i32>} : memref<13312xf32, #tpu.memory_space<vmem>>, vector<16xf32>,
      %mul3A_153 = arith.mulf %get3A_150, %get3A_152 : vector<16xf32>
      %add3A_154 = arith.addf %add3A_146, %mul3A_153 : vector<16xf32>
      %add3A_155 = arith.constant 3072 : i32
      %add3A_156 = arith.addi %add3A_155, %mul3A_106 : i32
      %get3A_157 = arith.index_cast %add3A_156 : i32 to index
      %get3A_158 = tpu.vector_load %arg7[%get3A_157] {strides = array<i32>} : memref<13312xf32, #tpu.memory_space<vmem>>, vector<16xf32>,
      %get3A_159 = arith.index_cast %add3A_156 : i32 to index
      %get3A_160 = tpu.vector_load %arg8[%get3A_159] {strides = array<i32>} : memref<13312xf32, #tpu.memory_space<vmem>>, vector<16xf32>,
      %mul3A_161 = arith.mulf %get3A_158, %get3A_160 : vector<16xf32>
      %add3A_162 = arith.addf %add3A_154, %mul3A_161 : vector<16xf32>
      %swap3A = arith.index_cast %mul3A_106 : i32 to index
      %swap3A_163 = tpu.vector_load %arg9[%swap3A] {strides = array<i32>} : memref<512xf32, #tpu.memory_space<vmem>>, vector<16xf32>,
      tpu.vector_store %arg9[%swap3A], %add3A_162 {strides = array<i32>} : memref<512xf32, #tpu.memory_space<vmem>>, vector<16xf32>,
    }
    %scan3A_53 = arith.constant 32 : i32
    %dma_wait3A_54 = arith.constant 0 : i32
    %dma_wait3A_55 = arith.constant 3584 : i32
    %dma_wait3A_56 = tpu.memref_slice %arg7[%dma_wait3A_55] : memref<13312xf32, #tpu.memory_space<vmem>> -> memref<3584xf32, #tpu.memory_space<vmem>>
    %dma_wait3A_57 = arith.constant 3584 : i32
    %dma_wait3A_58 = tpu.memref_slice %arg6[%dma_wait3A_57] : memref<13312xi32, #tpu.memory_space<vmem>> -> memref<3584xi32, #tpu.memory_space<vmem>>
    %dma_wait3A_59 = arith.constant 0 : i32
    %dma_wait3A_60 = tpu.memref_slice %arg4[%dma_wait3A_54, %dma_wait3A_59] : memref<1x1000000xf32, #tpu.memory_space<hbm>> -> memref<1x1000000xf32, #tpu.memory_space<hbm>>
    %dma_wait3A_61 = tpu.memref_squeeze %dma_wait3A_60 : memref<1x1000000xf32, #tpu.memory_space<hbm>> -> memref<1000000xf32, #tpu.memory_space<hbm>>
    %dma_wait3A_62 = arith.constant 0 : i32
    %dma_wait3A_63 = tpu.memref_slice %dma_wait3A_61[%dma_wait3A_62] : memref<1000000xf32, #tpu.memory_space<hbm>> -> memref<1000000xf32, #tpu.memory_space<hbm>>
    tpu.wait_indirect_dma semaphore(%arg11 : memref<!tpu.dma_semaphore, #tpu.memory_space<semaphore_mem>>) src(%dma_wait3A_63 : memref<1000000xf32, #tpu.memory_space<hbm>>) dst(%dma_wait3A_56 : memref<3584xf32, #tpu.memory_space<vmem>>)
    %scan3A_64 = arith.constant 0 : i32
    %scan3A_65 = arith.constant 0 : i32
    %scan3A_66 = arith.constant 32 : i32
    %scan3A_67 = arith.addi %scan3A_65, %scan3A_66 : i32
    %scan3A_68 = arith.constant 1 : i32
    scf.for %scan3A_104 = %scan3A_65 to %scan3A_67 step %scan3A_68  : i32 {
      %mul3A_105 = arith.constant 16 : i32
      %mul3A_106 = arith.muli %scan3A_104, %mul3A_105 : i32
      %get3A = arith.index_cast %mul3A_106 : i32 to index
      %get3A_107 = tpu.vector_load %arg9[%get3A] {strides = array<i32>} : memref<512xf32, #tpu.memory_space<vmem>>, vector<16xf32>,
      %add3A_108 = arith.constant 3584 : i32
      %add3A_109 = arith.addi %add3A_108, %mul3A_106 : i32
      %get3A_110 = arith.index_cast %add3A_109 : i32 to index
      %get3A_111 = tpu.vector_load %arg7[%get3A_110] {strides = array<i32>} : memref<13312xf32, #tpu.memory_space<vmem>>, vector<16xf32>,
      %get3A_112 = arith.index_cast %add3A_109 : i32 to index
      %get3A_113 = tpu.vector_load %arg8[%get3A_112] {strides = array<i32>} : memref<13312xf32, #tpu.memory_space<vmem>>, vector<16xf32>,
      %mul3A_114 = arith.mulf %get3A_111, %get3A_113 : vector<16xf32>
      %add3A_115 = arith.addf %get3A_107, %mul3A_114 : vector<16xf32>
      %add3A_116 = arith.constant 4096 : i32
      %add3A_117 = arith.addi %add3A_116, %mul3A_106 : i32
      %get3A_118 = arith.index_cast %add3A_117 : i32 to index
      %get3A_119 = tpu.vector_load %arg7[%get3A_118] {strides = array<i32>} : memref<13312xf32, #tpu.memory_space<vmem>>, vector<16xf32>,
      %get3A_120 = arith.index_cast %add3A_117 : i32 to index
      %get3A_121 = tpu.vector_load %arg8[%get3A_120] {strides = array<i32>} : memref<13312xf32, #tpu.memory_space<vmem>>, vector<16xf32>,
      %mul3A_122 = arith.mulf %get3A_119, %get3A_121 : vector<16xf32>
      %add3A_123 = arith.addf %add3A_115, %mul3A_122 : vector<16xf32>
      %add3A_124 = arith.constant 4608 : i32
      %add3A_125 = arith.addi %add3A_124, %mul3A_106 : i32
      %get3A_126 = arith.index_cast %add3A_125 : i32 to index
      %get3A_127 = tpu.vector_load %arg7[%get3A_126] {strides = array<i32>} : memref<13312xf32, #tpu.memory_space<vmem>>, vector<16xf32>,
      %get3A_128 = arith.index_cast %add3A_125 : i32 to index
      %get3A_129 = tpu.vector_load %arg8[%get3A_128] {strides = array<i32>} : memref<13312xf32, #tpu.memory_space<vmem>>, vector<16xf32>,
      %mul3A_130 = arith.mulf %get3A_127, %get3A_129 : vector<16xf32>
      %add3A_131 = arith.addf %add3A_123, %mul3A_130 : vector<16xf32>
      %add3A_132 = arith.constant 5120 : i32
      %add3A_133 = arith.addi %add3A_132, %mul3A_106 : i32
      %get3A_134 = arith.index_cast %add3A_133 : i32 to index
      %get3A_135 = tpu.vector_load %arg7[%get3A_134] {strides = array<i32>} : memref<13312xf32, #tpu.memory_space<vmem>>, vector<16xf32>,
      %get3A_136 = arith.index_cast %add3A_133 : i32 to index
      %get3A_137 = tpu.vector_load %arg8[%get3A_136] {strides = array<i32>} : memref<13312xf32, #tpu.memory_space<vmem>>, vector<16xf32>,
      %mul3A_138 = arith.mulf %get3A_135, %get3A_137 : vector<16xf32>
      %add3A_139 = arith.addf %add3A_131, %mul3A_138 : vector<16xf32>
      %add3A_140 = arith.constant 5632 : i32
      %add3A_141 = arith.addi %add3A_140, %mul3A_106 : i32
      %get3A_142 = arith.index_cast %add3A_141 : i32 to index
      %get3A_143 = tpu.vector_load %arg7[%get3A_142] {strides = array<i32>} : memref<13312xf32, #tpu.memory_space<vmem>>, vector<16xf32>,
      %get3A_144 = arith.index_cast %add3A_141 : i32 to index
      %get3A_145 = tpu.vector_load %arg8[%get3A_144] {strides = array<i32>} : memref<13312xf32, #tpu.memory_space<vmem>>, vector<16xf32>,
      %mul3A_146 = arith.mulf %get3A_143, %get3A_145 : vector<16xf32>
      %add3A_147 = arith.addf %add3A_139, %mul3A_146 : vector<16xf32>
      %add3A_148 = arith.constant 6144 : i32
      %add3A_149 = arith.addi %add3A_148, %mul3A_106 : i32
      %get3A_150 = arith.index_cast %add3A_149 : i32 to index
      %get3A_151 = tpu.vector_load %arg7[%get3A_150] {strides = array<i32>} : memref<13312xf32, #tpu.memory_space<vmem>>, vector<16xf32>,
      %get3A_152 = arith.index_cast %add3A_149 : i32 to index
      %get3A_153 = tpu.vector_load %arg8[%get3A_152] {strides = array<i32>} : memref<13312xf32, #tpu.memory_space<vmem>>, vector<16xf32>,
      %mul3A_154 = arith.mulf %get3A_151, %get3A_153 : vector<16xf32>
      %add3A_155 = arith.addf %add3A_147, %mul3A_154 : vector<16xf32>
      %add3A_156 = arith.constant 6656 : i32
      %add3A_157 = arith.addi %add3A_156, %mul3A_106 : i32
      %get3A_158 = arith.index_cast %add3A_157 : i32 to index
      %get3A_159 = tpu.vector_load %arg7[%get3A_158] {strides = array<i32>} : memref<13312xf32, #tpu.memory_space<vmem>>, vector<16xf32>,
      %get3A_160 = arith.index_cast %add3A_157 : i32 to index
      %get3A_161 = tpu.vector_load %arg8[%get3A_160] {strides = array<i32>} : memref<13312xf32, #tpu.memory_space<vmem>>, vector<16xf32>,
      %mul3A_162 = arith.mulf %get3A_159, %get3A_161 : vector<16xf32>
      %add3A_163 = arith.addf %add3A_155, %mul3A_162 : vector<16xf32>
      %swap3A = arith.index_cast %mul3A_106 : i32 to index
      %swap3A_164 = tpu.vector_load %arg9[%swap3A] {strides = array<i32>} : memref<512xf32, #tpu.memory_space<vmem>>, vector<16xf32>,
      tpu.vector_store %arg9[%swap3A], %add3A_163 {strides = array<i32>} : memref<512xf32, #tpu.memory_space<vmem>>, vector<16xf32>,
    }
    %scan3A_69 = arith.constant 32 : i32
    %dma_wait3A_70 = arith.constant 0 : i32
    %dma_wait3A_71 = arith.constant 7168 : i32
    %dma_wait3A_72 = tpu.memref_slice %arg7[%dma_wait3A_71] : memref<13312xf32, #tpu.memory_space<vmem>> -> memref<3072xf32, #tpu.memory_space<vmem>>
    %dma_wait3A_73 = arith.constant 7168 : i32
    %dma_wait3A_74 = tpu.memref_slice %arg6[%dma_wait3A_73] : memref<13312xi32, #tpu.memory_space<vmem>> -> memref<3072xi32, #tpu.memory_space<vmem>>
    %dma_wait3A_75 = arith.constant 0 : i32
    %dma_wait3A_76 = tpu.memref_slice %arg4[%dma_wait3A_70, %dma_wait3A_75] : memref<1x1000000xf32, #tpu.memory_space<hbm>> -> memref<1x1000000xf32, #tpu.memory_space<hbm>>
    %dma_wait3A_77 = tpu.memref_squeeze %dma_wait3A_76 : memref<1x1000000xf32, #tpu.memory_space<hbm>> -> memref<1000000xf32, #tpu.memory_space<hbm>>
    %dma_wait3A_78 = arith.constant 0 : i32
    %dma_wait3A_79 = tpu.memref_slice %dma_wait3A_77[%dma_wait3A_78] : memref<1000000xf32, #tpu.memory_space<hbm>> -> memref<1000000xf32, #tpu.memory_space<hbm>>
    tpu.wait_indirect_dma semaphore(%arg12 : memref<!tpu.dma_semaphore, #tpu.memory_space<semaphore_mem>>) src(%dma_wait3A_79 : memref<1000000xf32, #tpu.memory_space<hbm>>) dst(%dma_wait3A_72 : memref<3072xf32, #tpu.memory_space<vmem>>)
    %scan3A_80 = arith.constant 0 : i32
    %scan3A_81 = arith.constant 0 : i32
    %scan3A_82 = arith.constant 32 : i32
    %scan3A_83 = arith.addi %scan3A_81, %scan3A_82 : i32
    %scan3A_84 = arith.constant 1 : i32
    scf.for %scan3A_104 = %scan3A_81 to %scan3A_83 step %scan3A_84  : i32 {
      %mul3A_105 = arith.constant 16 : i32
      %mul3A_106 = arith.muli %scan3A_104, %mul3A_105 : i32
      %get3A = arith.index_cast %mul3A_106 : i32 to index
      %get3A_107 = tpu.vector_load %arg9[%get3A] {strides = array<i32>} : memref<512xf32, #tpu.memory_space<vmem>>, vector<16xf32>,
      %add3A_108 = arith.constant 7168 : i32
      %add3A_109 = arith.addi %add3A_108, %mul3A_106 : i32
      %get3A_110 = arith.index_cast %add3A_109 : i32 to index
      %get3A_111 = tpu.vector_load %arg7[%get3A_110] {strides = array<i32>} : memref<13312xf32, #tpu.memory_space<vmem>>, vector<16xf32>,
      %get3A_112 = arith.index_cast %add3A_109 : i32 to index
      %get3A_113 = tpu.vector_load %arg8[%get3A_112] {strides = array<i32>} : memref<13312xf32, #tpu.memory_space<vmem>>, vector<16xf32>,
      %mul3A_114 = arith.mulf %get3A_111, %get3A_113 : vector<16xf32>
      %add3A_115 = arith.addf %get3A_107, %mul3A_114 : vector<16xf32>
      %add3A_116 = arith.constant 7680 : i32
      %add3A_117 = arith.addi %add3A_116, %mul3A_106 : i32
      %get3A_118 = arith.index_cast %add3A_117 : i32 to index
      %get3A_119 = tpu.vector_load %arg7[%get3A_118] {strides = array<i32>} : memref<13312xf32, #tpu.memory_space<vmem>>, vector<16xf32>,
      %get3A_120 = arith.index_cast %add3A_117 : i32 to index
      %get3A_121 = tpu.vector_load %arg8[%get3A_120] {strides = array<i32>} : memref<13312xf32, #tpu.memory_space<vmem>>, vector<16xf32>,
      %mul3A_122 = arith.mulf %get3A_119, %get3A_121 : vector<16xf32>
      %add3A_123 = arith.addf %add3A_115, %mul3A_122 : vector<16xf32>
      %add3A_124 = arith.constant 8192 : i32
      %add3A_125 = arith.addi %add3A_124, %mul3A_106 : i32
      %get3A_126 = arith.index_cast %add3A_125 : i32 to index
      %get3A_127 = tpu.vector_load %arg7[%get3A_126] {strides = array<i32>} : memref<13312xf32, #tpu.memory_space<vmem>>, vector<16xf32>,
      %get3A_128 = arith.index_cast %add3A_125 : i32 to index
      %get3A_129 = tpu.vector_load %arg8[%get3A_128] {strides = array<i32>} : memref<13312xf32, #tpu.memory_space<vmem>>, vector<16xf32>,
      %mul3A_130 = arith.mulf %get3A_127, %get3A_129 : vector<16xf32>
      %add3A_131 = arith.addf %add3A_123, %mul3A_130 : vector<16xf32>
      %add3A_132 = arith.constant 8704 : i32
      %add3A_133 = arith.addi %add3A_132, %mul3A_106 : i32
      %get3A_134 = arith.index_cast %add3A_133 : i32 to index
      %get3A_135 = tpu.vector_load %arg7[%get3A_134] {strides = array<i32>} : memref<13312xf32, #tpu.memory_space<vmem>>, vector<16xf32>,
      %get3A_136 = arith.index_cast %add3A_133 : i32 to index
      %get3A_137 = tpu.vector_load %arg8[%get3A_136] {strides = array<i32>} : memref<13312xf32, #tpu.memory_space<vmem>>, vector<16xf32>,
      %mul3A_138 = arith.mulf %get3A_135, %get3A_137 : vector<16xf32>
      %add3A_139 = arith.addf %add3A_131, %mul3A_138 : vector<16xf32>
      %add3A_140 = arith.constant 9216 : i32
      %add3A_141 = arith.addi %add3A_140, %mul3A_106 : i32
      %get3A_142 = arith.index_cast %add3A_141 : i32 to index
      %get3A_143 = tpu.vector_load %arg7[%get3A_142] {strides = array<i32>} : memref<13312xf32, #tpu.memory_space<vmem>>, vector<16xf32>,
      %get3A_144 = arith.index_cast %add3A_141 : i32 to index
      %get3A_145 = tpu.vector_load %arg8[%get3A_144] {strides = array<i32>} : memref<13312xf32, #tpu.memory_space<vmem>>, vector<16xf32>,
      %mul3A_146 = arith.mulf %get3A_143, %get3A_145 : vector<16xf32>
      %add3A_147 = arith.addf %add3A_139, %mul3A_146 : vector<16xf32>
      %add3A_148 = arith.constant 9728 : i32
      %add3A_149 = arith.addi %add3A_148, %mul3A_106 : i32
      %get3A_150 = arith.index_cast %add3A_149 : i32 to index
      %get3A_151 = tpu.vector_load %arg7[%get3A_150] {strides = array<i32>} : memref<13312xf32, #tpu.memory_space<vmem>>, vector<16xf32>,
      %get3A_152 = arith.index_cast %add3A_149 : i32 to index
      %get3A_153 = tpu.vector_load %arg8[%get3A_152] {strides = array<i32>} : memref<13312xf32, #tpu.memory_space<vmem>>, vector<16xf32>,
      %mul3A_154 = arith.mulf %get3A_151, %get3A_153 : vector<16xf32>
      %add3A_155 = arith.addf %add3A_147, %mul3A_154 : vector<16xf32>
      %swap3A = arith.index_cast %mul3A_106 : i32 to index
      %swap3A_156 = tpu.vector_load %arg9[%swap3A] {strides = array<i32>} : memref<512xf32, #tpu.memory_space<vmem>>, vector<16xf32>,
      tpu.vector_store %arg9[%swap3A], %add3A_155 {strides = array<i32>} : memref<512xf32, #tpu.memory_space<vmem>>, vector<16xf32>,
    }
    %scan3A_85 = arith.constant 32 : i32
    %dma_wait3A_86 = arith.constant 0 : i32
    %dma_wait3A_87 = arith.constant 10240 : i32
    %dma_wait3A_88 = tpu.memref_slice %arg7[%dma_wait3A_87] : memref<13312xf32, #tpu.memory_space<vmem>> -> memref<3072xf32, #tpu.memory_space<vmem>>
    %dma_wait3A_89 = arith.constant 10240 : i32
    %dma_wait3A_90 = tpu.memref_slice %arg6[%dma_wait3A_89] : memref<13312xi32, #tpu.memory_space<vmem>> -> memref<3072xi32, #tpu.memory_space<vmem>>
    %dma_wait3A_91 = arith.constant 0 : i32
    %dma_wait3A_92 = tpu.memref_slice %arg4[%dma_wait3A_86, %dma_wait3A_91] : memref<1x1000000xf32, #tpu.memory_space<hbm>> -> memref<1x1000000xf32, #tpu.memory_space<hbm>>
    %dma_wait3A_93 = tpu.memref_squeeze %dma_wait3A_92 : memref<1x1000000xf32, #tpu.memory_space<hbm>> -> memref<1000000xf32, #tpu.memory_space<hbm>>
    %dma_wait3A_94 = arith.constant 0 : i32
    %dma_wait3A_95 = tpu.memref_slice %dma_wait3A_93[%dma_wait3A_94] : memref<1000000xf32, #tpu.memory_space<hbm>> -> memref<1000000xf32, #tpu.memory_space<hbm>>
    tpu.wait_indirect_dma semaphore(%arg13 : memref<!tpu.dma_semaphore, #tpu.memory_space<semaphore_mem>>) src(%dma_wait3A_95 : memref<1000000xf32, #tpu.memory_space<hbm>>) dst(%dma_wait3A_88 : memref<3072xf32, #tpu.memory_space<vmem>>)
    %scan3A_96 = arith.constant 0 : i32
    %scan3A_97 = arith.constant 0 : i32
    %scan3A_98 = arith.constant 32 : i32
    %scan3A_99 = arith.addi %scan3A_97, %scan3A_98 : i32
    %scan3A_100 = arith.constant 1 : i32
    scf.for %scan3A_104 = %scan3A_97 to %scan3A_99 step %scan3A_100  : i32 {
      %mul3A_105 = arith.constant 16 : i32
      %mul3A_106 = arith.muli %scan3A_104, %mul3A_105 : i32
      %get3A = arith.index_cast %mul3A_106 : i32 to index
      %get3A_107 = tpu.vector_load %arg9[%get3A] {strides = array<i32>} : memref<512xf32, #tpu.memory_space<vmem>>, vector<16xf32>,
      %add3A_108 = arith.constant 10240 : i32
      %add3A_109 = arith.addi %add3A_108, %mul3A_106 : i32
      %get3A_110 = arith.index_cast %add3A_109 : i32 to index
      %get3A_111 = tpu.vector_load %arg7[%get3A_110] {strides = array<i32>} : memref<13312xf32, #tpu.memory_space<vmem>>, vector<16xf32>,
      %get3A_112 = arith.index_cast %add3A_109 : i32 to index
      %get3A_113 = tpu.vector_load %arg8[%get3A_112] {strides = array<i32>} : memref<13312xf32, #tpu.memory_space<vmem>>, vector<16xf32>,
      %mul3A_114 = arith.mulf %get3A_111, %get3A_113 : vector<16xf32>
      %add3A_115 = arith.addf %get3A_107, %mul3A_114 : vector<16xf32>
      %add3A_116 = arith.constant 10752 : i32
      %add3A_117 = arith.addi %add3A_116, %mul3A_106 : i32
      %get3A_118 = arith.index_cast %add3A_117 : i32 to index
      %get3A_119 = tpu.vector_load %arg7[%get3A_118] {strides = array<i32>} : memref<13312xf32, #tpu.memory_space<vmem>>, vector<16xf32>,
      %get3A_120 = arith.index_cast %add3A_117 : i32 to index
      %get3A_121 = tpu.vector_load %arg8[%get3A_120] {strides = array<i32>} : memref<13312xf32, #tpu.memory_space<vmem>>, vector<16xf32>,
      %mul3A_122 = arith.mulf %get3A_119, %get3A_121 : vector<16xf32>
      %add3A_123 = arith.addf %add3A_115, %mul3A_122 : vector<16xf32>
      %add3A_124 = arith.constant 11264 : i32
      %add3A_125 = arith.addi %add3A_124, %mul3A_106 : i32
      %get3A_126 = arith.index_cast %add3A_125 : i32 to index
      %get3A_127 = tpu.vector_load %arg7[%get3A_126] {strides = array<i32>} : memref<13312xf32, #tpu.memory_space<vmem>>, vector<16xf32>,
      %get3A_128 = arith.index_cast %add3A_125 : i32 to index
      %get3A_129 = tpu.vector_load %arg8[%get3A_128] {strides = array<i32>} : memref<13312xf32, #tpu.memory_space<vmem>>, vector<16xf32>,
      %mul3A_130 = arith.mulf %get3A_127, %get3A_129 : vector<16xf32>
      %add3A_131 = arith.addf %add3A_123, %mul3A_130 : vector<16xf32>
      %add3A_132 = arith.constant 11776 : i32
      %add3A_133 = arith.addi %add3A_132, %mul3A_106 : i32
      %get3A_134 = arith.index_cast %add3A_133 : i32 to index
      %get3A_135 = tpu.vector_load %arg7[%get3A_134] {strides = array<i32>} : memref<13312xf32, #tpu.memory_space<vmem>>, vector<16xf32>,
      %get3A_136 = arith.index_cast %add3A_133 : i32 to index
      %get3A_137 = tpu.vector_load %arg8[%get3A_136] {strides = array<i32>} : memref<13312xf32, #tpu.memory_space<vmem>>, vector<16xf32>,
      %mul3A_138 = arith.mulf %get3A_135, %get3A_137 : vector<16xf32>
      %add3A_139 = arith.addf %add3A_131, %mul3A_138 : vector<16xf32>
      %add3A_140 = arith.constant 12288 : i32
      %add3A_141 = arith.addi %add3A_140, %mul3A_106 : i32
      %get3A_142 = arith.index_cast %add3A_141 : i32 to index
      %get3A_143 = tpu.vector_load %arg7[%get3A_142] {strides = array<i32>} : memref<13312xf32, #tpu.memory_space<vmem>>, vector<16xf32>,
      %get3A_144 = arith.index_cast %add3A_141 : i32 to index
      %get3A_145 = tpu.vector_load %arg8[%get3A_144] {strides = array<i32>} : memref<13312xf32, #tpu.memory_space<vmem>>, vector<16xf32>,
      %mul3A_146 = arith.mulf %get3A_143, %get3A_145 : vector<16xf32>
      %add3A_147 = arith.addf %add3A_139, %mul3A_146 : vector<16xf32>
      %add3A_148 = arith.constant 12800 : i32
      %add3A_149 = arith.addi %add3A_148, %mul3A_106 : i32
      %get3A_150 = arith.index_cast %add3A_149 : i32 to index
      %get3A_151 = tpu.vector_load %arg7[%get3A_150] {strides = array<i32>} : memref<13312xf32, #tpu.memory_space<vmem>>, vector<16xf32>,
      %get3A_152 = arith.index_cast %add3A_149 : i32 to index
      %get3A_153 = tpu.vector_load %arg8[%get3A_152] {strides = array<i32>} : memref<13312xf32, #tpu.memory_space<vmem>>, vector<16xf32>,
      %mul3A_154 = arith.mulf %get3A_151, %get3A_153 : vector<16xf32>
      %add3A_155 = arith.addf %add3A_147, %mul3A_154 : vector<16xf32>
      %swap3A = arith.index_cast %mul3A_106 : i32 to index
      %swap3A_156 = tpu.vector_load %arg9[%swap3A] {strides = array<i32>} : memref<512xf32, #tpu.memory_space<vmem>>, vector<16xf32>,
      tpu.vector_store %arg9[%swap3A], %add3A_155 {strides = array<i32>} : memref<512xf32, #tpu.memory_space<vmem>>, vector<16xf32>,
    }
    %scan3A_101 = arith.constant 32 : i32
    %mul3A_102 = arith.constant 512 : i32
    %mul3A_103 = arith.muli %add3A, %mul3A_102 : i32
    "tpu.region"() ({
      %run_scoped3A = tpu.sem_alloc : memref<!tpu.dma_semaphore, #tpu.memory_space<semaphore_mem>>
      %dma_start3A_104 = tpu.memref_slice %arg5[%mul3A_103] : memref<16384xf32, #tpu.memory_space<hbm>> -> memref<512xf32, #tpu.memory_space<hbm>>
      %dma_start3A_105 = tpu.memref_slice %arg5[%mul3A_103] : memref<16384xf32, #tpu.memory_space<hbm>> -> memref<512xf32, #tpu.memory_space<hbm>>
      tpu.enqueue_dma source(%arg9 : memref<512xf32, #tpu.memory_space<vmem>>) target(%dma_start3A_105 : memref<512xf32, #tpu.memory_space<hbm>>) target_semaphore(%run_scoped3A : memref<!tpu.dma_semaphore, #tpu.memory_space<semaphore_mem>>)
      %dma_wait3A_106 = tpu.memref_slice %arg5[%mul3A_103] : memref<16384xf32, #tpu.memory_space<hbm>> -> memref<512xf32, #tpu.memory_space<hbm>>
      %dma_wait3A_107 = tpu.memref_slice %arg5[%mul3A_103] : memref<16384xf32, #tpu.memory_space<hbm>> -> memref<512xf32, #tpu.memory_space<hbm>>
      tpu.wait_dma2 semaphore(%run_scoped3A : memref<!tpu.dma_semaphore, #tpu.memory_space<semaphore_mem>>) src(%arg9 : memref<512xf32, #tpu.memory_space<vmem>>) dst(%dma_wait3A_107 : memref<512xf32, #tpu.memory_space<hbm>>)
      tpu.yield
    }) : () -> ()
    return
  }
}

</mosaic_0001>

<sc_bundles>
// kernel: kernel.3.cloned.1.call-start
scs
__scs_entry_jumppad:
0x0: {  	(pc) =	sbr.rel $0x88, $3  }
0x1: {  	(tag) =	ssettag $0x0;
	lr =	simm.s32 $0x1  }
0x2: {  	[smem:$0x3F9D] =	sst lr;
	_ =	strace $0xD0000000  }
0x3: {  	_ = 	snop  }
0x4: {  	_ = 	snop  }
0x5: {  	_ = 	snop  }
0x6: {  	_ = 	snop  }
0x7: {  	_ = 	snop  }
__scs_overlays_trampoline_lowered:
0x8: {  	[smem:$0x3FAC] =	sst s0  }
0x9: {  	[smem:$0x3FAD] =	sst s1  }
0xa: {  	[smem:$0x3FAE] =	sst s2  }
0xb: {  	[smem:$0x3FAF] =	sst s3  }
0xc: {  	[smem:$0x3FB0] =	sst s4  }
0xd: {  	[smem:$0x3FB1] =	sst s5  }
0xe: {  	[smem:$0x3FB2] =	sst s6  }
0xf: {  	[smem:$0x3FB3] =	sst s7  }
0x10: {  	[smem:$0x3FB4] =	sst s8  }
0x11: {  	[smem:$0x3FB5] =	sst s9;
	s0 =	simm.s32 @!p0 $0x0  }
0x12: {  	s1 =	sld [smem:$0x3F9B];
	s0 =	simm.s32 @p0 $0x1  }
0x13: {  	[smem:$0x3FB6] =	sst s0;
	s0 =	simm.s32 @!p1 $0x0  }
0x14: {  	s2 =	sld [smem:$0x3F9A];
	s0 =	simm.s32 @p1 $0x1  }
0x15: {  	[smem:$0x3FB7] =	sst s0;
	s0 =	simm.s32 @!p2 $0x0  }
0x16: {  	s3 =	sld [smem:$0x3FDB];
	s0 =	simm.s32 @p2 $0x1  }
0x17: {  	s4 =	simm.s32 $0x1BF5;
	[smem:$0x3FB9] =	sst s0  }
0x18: {  	s0 =	sld [smem:$0x3F9C];
	_ =	swait.ge [sflag:s4], $0x0  }
0x19: {  	s7 =	sld [smem:$0x3F9D]  }
0x1a: {  	s8 =	sadd.s32 $0xFFFFE003, lr  }
0x1b: {  	s9 =	sadd.s32 $0xFFFFFEF7, lr;
	s5 =	simm.s32 $0xFFFFFFFF;
	p2 =	slt.u32 s8, $0xFFFFF086  }
0x1c: {  	p1 =	slt.u32 s9, $0xF7A;
	s5 =	simm.s32 @!p2 $0x0  }
0x1d: {  	s5 =	simm.s32 @p1 $0x1;
	p0 =	seq.s32 s7, s2  }
0x1e: {  	s7 =	smul.u32 @!p0 $0xF7A, s2;
	p2 =	seq.s32 @!p0 s5, $0x0  }
0x1f: {  	s9 =	smul.u32 $0xF7A, s1;
	s8 =	simm.s32 @!p0 $0x1BF5;
	p2 =	por !p2, p0  }
0x20: {  	[sflag:s8] =	ssyncset.s32 @!p0 $0xFFFFF086;
	s6 =	sadd.s32 @!p0 s3, s7;
	s7 =	simm.s32 @!p0 $0x108  }
0x21: {  	s3 =	sadd.s32 s3, s9;
	s6 =	sadd.s32 @!p0 $0x88, s6;
	s7 =	simm.s32 @p2 $0x1082  }
0x22: {  	[simem:s7], [sflag:s8] =	dma.local @!p0 [hbm:s6], $0xF7A  }
0x23: {  	s9 =	sor.u32 $0xD0000000, s2;
	s6 =	simm.s32 $0x108;
	_ =	swait.ge @!p0 [sflag:s8], $0x0  }
0x24: {  	s3 =	sadd.s32 $0x88, s3;
	s6 =	simm.s32 @!p1 $0x1082;
	[sflag:s4] =	ssyncset.s32 $0xFFFFF086  }
0x25: {  	[simem:s6], [sflag:s4] =	dma.local [hbm:s3], $0xF7A  }
0x26: {  	[smem:$0x3F9D] =	sst s1;
	(tag) =	ssettag s2;
	_ =	strace s9  }
0x27: {  	s1 =	sld [smem:$0x3FAD]  }
0x28: {  	s2 =	sld [smem:$0x3FAE]  }
0x29: {  	s4 =	sld [smem:$0x3FB0]  }
0x2a: {  	p0 =	seq.s32 s5, $0x0;
	s5 =	sld [smem:$0x3FB1]  }
0x2b: {  	s6 =	sld [smem:$0x3FB2]  }
0x2c: {  	s7 =	sld [smem:$0x3FB3]  }
0x2d: {  	s3 =	simm.s32 $0x108;
	s8 =	sld [smem:$0x3FB4]  }
0x2e: {  	s3 =	simm.s32 @!p0 $0x1082;
	s9 =	sld [smem:$0x3FB5]  }
0x2f: {  	lr =	sadd.s32 s0, s3;
	s0 =	sld [smem:$0x3FAC]  }
0x30: {  	s3 =	sld [smem:$0x3FAF]  }
0x31: {  	[smem:$0x3FB8] =	sst s10  }
0x32: {  	s10 =	sld [smem:$0x3FB6];
	_ =	sdelay $0x3  }
0x33: {  	p0 =	seq.s32 s10, $0x1;
	s10 =	sld [smem:$0x3FB8];
	_ =	sdelay $0x3  }
0x34: {  	[smem:$0x3FB8] =	sst s10  }
0x35: {  	s10 =	sld [smem:$0x3FB7];
	_ =	sdelay $0x3  }
0x36: {  	p1 =	seq.s32 s10, $0x1;
	s10 =	sld [smem:$0x3FB8];
	_ =	sdelay $0x3  }
0x37: {  	[smem:$0x3FB8] =	sst s10  }
0x38: {  	s10 =	sld [smem:$0x3FB9]  }
0x39: {  	_ = 	snop;
	(pc) =	sbr.ind lr, $3  }
0x3a: {  	_ = 	snop  }
0x3b: {  	_ = 	snop  }
0x3c: {  	p2 =	seq.s32 s10, $0x1;
	s10 =	sld [smem:$0x3FB8]  }
0x3d: {  	_ =	shalt  }
0x3e: {  	_ =	shalt  }
0x3f: {  	_ =	shalt  }
0x40: {  	_ =	shalt  }
0x41: {  	_ =	shalt  }
0x42: {  	_ =	shalt  }
0x43: {  	_ =	shalt  }
0x44: {  	_ =	shalt  }
0x45: {  	_ =	shalt  }
0x46: {  	_ =	shalt  }
0x47: {  	_ =	shalt  }
0x48: {  	_ =	shalt  }
0x49: {  	_ =	shalt  }
0x4a: {  	_ =	shalt  }
0x4b: {  	_ =	shalt  }
0x4c: {  	_ =	shalt  }
0x4d: {  	_ =	shalt  }
0x4e: {  	_ =	shalt  }
0x4f: {  	_ =	shalt  }
0x50: {  	_ =	shalt  }
0x51: {  	_ =	shalt  }
0x52: {  	_ =	shalt  }
0x53: {  	_ =	shalt  }
0x54: {  	_ =	shalt  }
0x55: {  	_ =	shalt  }
0x56: {  	_ =	shalt  }
0x57: {  	_ =	shalt  }
0x58: {  	_ =	shalt  }
0x59: {  	_ =	shalt  }
0x5a: {  	_ =	shalt  }
0x5b: {  	_ =	shalt  }
0x5c: {  	_ =	shalt  }
0x5d: {  	_ =	shalt  }
0x5e: {  	_ =	shalt  }
0x5f: {  	_ =	shalt  }
0x60: {  	_ =	shalt  }
0x61: {  	_ =	shalt  }
0x62: {  	_ =	shalt  }
0x63: {  	_ =	shalt  }
0x64: {  	_ =	shalt  }
0x65: {  	_ =	shalt  }
0x66: {  	_ =	shalt  }
0x67: {  	_ =	shalt  }
0x68: {  	_ =	shalt  }
0x69: {  	_ =	shalt  }
0x6a: {  	_ =	shalt  }
0x6b: {  	_ =	shalt  }
0x6c: {  	_ =	shalt  }
0x6d: {  	_ =	shalt  }
0x6e: {  	_ =	shalt  }
0x6f: {  	_ =	shalt  }
0x70: {  	_ =	shalt  }
0x71: {  	_ =	shalt  }
0x72: {  	_ =	shalt  }
0x73: {  	_ =	shalt  }
0x74: {  	_ =	shalt  }
0x75: {  	_ =	shalt  }
0x76: {  	_ =	shalt  }
0x77: {  	_ =	shalt  }
0x78: {  	_ =	shalt  }
0x79: {  	_ =	shalt  }
0x7a: {  	_ =	shalt  }
0x7b: {  	_ =	shalt  }
0x7c: {  	_ =	shalt  }
0x7d: {  	_ =	shalt  }
0x7e: {  	_ =	shalt  }
0x7f: {  	_ =	shalt  }
0x80: {  	_ =	shalt  }
0x81: {  	_ =	shalt  }
0x82: {  	_ =	shalt  }
0x83: {  	_ =	shalt  }
0x84: {  	_ =	shalt  }
0x85: {  	_ =	shalt  }
0x86: {  	_ =	shalt  }
0x87: {  	_ =	shalt  }
.Lfunc_end0:
.L_simem_size_0:
called_computation_lowered:
.L_overlay_start_0:
0x88: {  	s2 =	sld [smem:$0x3FD9]  }
0x89: {  	s3 =	sld [smem:$0x3FFE];
	_ =	sdelay $0x1  }
0x8a: {  	s1 =	srdreg.scid  }
0x8b: {  	s0 =	sand.u32 $0x1, s1  }
0x8c: {  	s17 =	sshll.u32 s0, $0xA;
	s2 =	sadd.s32 s3, s2  }
0x8d: {  	s2 =	sadd.s32 s2, s17  }
0x8e: {  	[smem:$0x3FC4] =	sst s2  }
0x8f: {  	_ = 	snop  }
0x90: {  	s2 =	sld [smem:$0x3FC7]  }
0x91: {  	s18 =	sld [smem:$0x3FD0];
	(tm) =	ssettm $0x1  }
0x92: {  	s4 =	sld [smem:$0x3FFB];
	_ =	sdelay $0x3  }
0x93: {  	_ =	strace s4  }
0x94: {  	s4 =	sld [smem:$0x3FFC];
	_ =	sdelay $0x3  }
0x95: {  	_ =	strace s4  }
0x96: {  	s4 =	sld [smem:$0x3FFD];
	_ =	sdelay $0x3  }
0x97: {  	_ =	strace s4  }
0x98: {  	_ =	strace $0x8FFFFFFF  }
0x99: {  	s19 =	sld [smem:$0x3FDB];
	_ =	sdelay $0x1  }
0x9a: {  	s5 =	simm.s32 $_scs_section_size  }
0x9b: {  	s6 =	simm.s32 $_size__tile_overlayer_lowered;
	s7 =	simm.s32 $_tile_overlayer_lowered  }
0x9c: {  	s22 =	simm.s32 $0x1BFF;
	s21 =	sshll.u32 s7, $0x1;
	s4 =	sadd.s32 s5, s19  }
0x9d: {  	s8 =	simm.s32 $0x0;
	s20 =	sshll.u32 s6, $0x1;
	s6 =	sadd.s32 s21, s4  }
0x9e: {  	[timem:s8], [sflag:s22] =	dma.local [hbm:s6], s20  }
0x9f: {  	_ =	swait.ge [sflag:s22], s20  }
0xa0: {  	s5 =	ssub.s32 $0x0, s20;
	[sflag:s22] =	ssyncset.done $0x0  }
0xa1: {  	[sflag:s22] =	ssyncadd.s32 s5;
	_ =	sdelay $0x1  }
0xa2: {  	s23 =	simm.s32 $0x1B8B  }
0xa3: {  	_ =	swait.ge [sflag:s23], $0x1  }
0xa4: {  	[sflag:s23] =	ssyncset.done $0x0  }
0xa5: {  	s25 =	simm.s32 $0x1B8E;
	s24 =	sld [smem:$0x3FFE];
	[sflag:s23] =	ssyncadd.s32 $0xFFFFFFFF  }
0xa6: {  	s26 =	simm.s32 $execute0_lowered;
	[smem:$0x3FD2] =	sst s25  }
0xa7: {  	s6 =	sshll.u32 s26, $0x1;
	_ =	strace $0x80000046;
	[dreg:$0x1] =	wrdreg $0xFFFFFFFF  }
0xa8: {  	s28 =	simm.s32 $_size_execute0_lowered;
	s4 =	sadd.s32 s4, s6;
	[dreg:$0x0] =	wrdreg $0x0  }
0xa9: {  	s6 =	sshll.u32 s28, $0x1;
	[dreg:$0x2] =	wrdreg s4  }
0xaa: {  	[dreg:$0x3] =	wrdreg s6  }
0xab: {  	[dreg:$0x4] =	wrdreg $0xC0  }
0xac: {  	_ =	task [dreg:s8], $0x5FFFF  }
0xad: {  	[dreg:$0x1] =	wrdreg $0xFFFFFFFF  }
0xae: {  	[dreg:$0x0] =	wrdreg $0x60  }
0xaf: {  	[dreg:$0x2] =	wrdreg s24  }
0xb0: {  	[dreg:$0x3] =	wrdreg s2  }
0xb1: {  	[dreg:$0x4] =	wrdreg s18  }
0xb2: {  	[dreg:$0x5] =	wrdreg $0x9  }
0xb3: {  	_ =	task.clear_ibuf [dreg:s8], $0x6FFFF;
	_ =	strace $0x90000046  }
0xb4: {  	s29 =	simm.s32 $0x9;
	_ =	strace $0x80000048  }
0xb5: {  	_ =	swait.ge [sflag:s29], $0x1  }
0xb6: {  	[sflag:s29] =	ssyncadd.s32 $0xFFFFFFFF  }
0xb7: {  	_ =	strace $0x90000048  }
0xb8: {  	_ =	sfence  }
0xb9: {  	s30 =	sld [smem:$0x0];
	_ =	sdelay $0x2  }
0xba: {  	s31 =	sshll.u32 s1, $0xD;
	s1 =	sshrl.u32 s1, $0x2  }
0xbb: {  	s3 =	sand.u32 $0x4000, s31;
	s1 =	sadd.s32 s1, s30  }
0xbc: {  	s0 =	sor.u32 s3, s0;
	s1 =	sshll.u32 s1, $0x11  }
0xbd: {  	s0 =	sor.u32 s1, s0  }
0xbe: {  	s0 =	sadd.s32 $0x8F2B, s0  }
0xbf: {  	[sflag:s0] =	ssyncadd.remote.s32 $0x1  }
0xc0: {  	_ =	sfence.sel $0xFFFF  }
0xc1: {  	[dreg:$0x0] =	wrdreg $0xFFFFFFFF;
	(pc) =	sbr.abs _section_cstart, $3  }
0xc2: {  	[dreg:$0x1] =	wrdreg $0xFFFFFFFF  }
0xc3: {  	_ =	task.clear_ibuf [dreg:s8], $0x2FFFF;
	_ =	strace $0x9FFFFFFF  }
0xc4: {  	(tm) =	ssettm $0x7FFFFFFF  }
0xc5: {  	_ =	shalt  }
tec
execute0_lowered:
.L_overlay_start_1:
0x0: {  	(tag) =	ssettag $0x1  }
0x1: {  	s4 =	rddreg [dreg:$0x0]  }
0x2: {  	s0 =	srdreg.scid;
	s9 =	rddreg [dreg:$0x2]  }
0x3: {  	s13 =	simm.s32 $0x5;
	s14 =	simm.s32 $0xE00;
	s15 =	simm.s32 $0x3400  }
0x4: {  	s16 =	simm.s32 $0x4200;
	s17 =	simm.s32 $0x1C00;
	s18 =	simm.s32 $0xC00  }
0x5: {  	s19 =	simm.s32 $0x5000;
	s20 =	simm.s32 $0x2800;
	s21 =	simm.s32 $0x5C00  }
0x6: {  	s22 =	simm.s32 $0x6800;
	s23 =	simm.s32 $0x1;
	s28 =	simm.s32 $0x9C00  }
0x7: {  	s29 =	simm.s32 $0x0;
	s1 =	sand.u32 $0x1, s0;
	s0 =	stileid.u32  }
0x8: {  	s7 =	sadd.s32 $0x600, s4;
	s2 =	sshll.u32 s1, $0x4;
	s6 =	sshll.u32 s0, $0x7  }
0x9: {  	s1 =	ssub.s32 $0x2, s1;
	s8 =	sor.u32 s0, s2;
	s2 =	rddreg [dreg:$0x1]  }
0xa: {  	s6 =	sand.u32 $0x380, s6;
	s24 =	sshrl.u32 s1, $0x1;
	s3 =	sshrl.u32 s8, $0x3  }
0xb: {  	s1 =	ssub.s32 s1, s24;
	s5 =	smul.u32 $0x1A000, s3;
	s3 =	simm.s32 $0x0  }
0xc: {  	s31 =	sshll.u32 s8, $0x6;
	s24 =	simm.s32 $0x2;
	[smem:$0x7FF] =	sst s3  }
0xd: {  	s9 =	sadd.s32 s9, s31;
	s5 =	sor.u32 s6, s5;
	_ =	strace $0x80000047  }
0xe: {  	s6 =	sshrl.u32 s5, $0x3;
	s25 =	sadd.s32 $0x7000, s5;
	s11 =	sadd.s32 $0xE000, s5  }
0xf: {  	s12 =	sadd.s32 $0x14000, s5;
	s10 =	sadd.s32 s6, s4;
	s4 =	sadd.s32 s7, s6  }
0x10: {  	s6 =	sshrl.u32 s25, $0x3;
	s26 =	sshrl.u32 s11, $0x3;
	s30 =	sshrl.u32 s12, $0x3  }
0x11: {  	s11 =	simm.s32 $0x80;
	s12 =	simm.s32 $0x400;
	s25 =	simm.s32 $0x3  }
0x12: {  	s5 =	sadd.s32 s7, s6;
	s6 =	sadd.s32 s7, s26;
	s7 =	sadd.s32 s7, s30  }
0x13: {  	s8 =	sadd.s32 $0xD600, s10;
	s10 =	smax.u32 s1, $0x1;
	s26 =	simm.s32 $0x4  }
.LBB2_1:
0x14: {  	[tilespmem:s3], [sflag:$0x5] =	stream.strided.gather [hbm4b:s4+s11], $0xE00, s12, s11, $0x38;
	[tilespmem:$0x9E00] =	vst v63  }
0x15: {  	_ =	swait.ge [sflag:s13], $0xE00  }
0x16: {  	[sflag:s13] =	ssyncset.done $0x0  }
0x17: {  	[sflag:s13] =	ssyncadd.s32 $0xFFFFF200  }
0x18: {  	[tilespmem:s15], [sflag:$0x1] =	stream.indirect.gather [hbm4b:s2+s14], $0x1, s3, s14, $0xb8;
	[tilespmem:$0x9E00] =	vst v63  }
0x19: {  	_ = 	snop  }
0x1a: {  	[tilespmem:s14], [sflag:$0x5] =	stream.strided.gather [hbm4b:s5+s11], $0xE00, s12, s11, $0x38;
	[tilespmem:$0x9E00] =	vst v63  }
0x1b: {  	_ =	swait.ge [sflag:s13], $0xE00  }
0x1c: {  	[sflag:s13] =	ssyncset.done $0x0  }
0x1d: {  	[sflag:s13] =	ssyncadd.s32 $0xFFFFF200  }
0x1e: {  	[tilespmem:s16], [sflag:$0x2] =	stream.indirect.gather [hbm4b:s2+s14], $0x1, s14, s14, $0xb8;
	[tilespmem:$0x9E00] =	vst v63  }
0x1f: {  	_ = 	snop  }
0x20: {  	[tilespmem:s17], [sflag:$0x5] =	stream.strided.gather [hbm4b:s6+s11], $0xC00, s12, s11, $0x38;
	[tilespmem:$0x9E00] =	vst v63  }
0x21: {  	_ =	swait.ge [sflag:s13], $0xC00  }
0x22: {  	[sflag:s13] =	ssyncset.done $0x0  }
0x23: {  	[sflag:s13] =	ssyncadd.s32 $0xFFFFF400  }
0x24: {  	[tilespmem:s19], [sflag:$0x3] =	stream.indirect.gather [hbm4b:s2+s18], $0x1, s17, s18, $0xb8;
	[tilespmem:$0x9E00] =	vst v63  }
0x25: {  	_ = 	snop  }
0x26: {  	[tilespmem:s20], [sflag:$0x5] =	stream.strided.gather [hbm4b:s7+s11], $0xC00, s12, s11, $0x38;
	[tilespmem:$0x9E00] =	vst v63  }
0x27: {  	_ =	swait.ge [sflag:s13], $0xC00  }
0x28: {  	[sflag:s13] =	ssyncset.done $0x0  }
0x29: {  	[sflag:s13] =	ssyncadd.s32 $0xFFFFF400  }
0x2a: {  	[tilespmem:s21], [sflag:$0x4] =	stream.indirect.gather [hbm4b:s2+s18], $0x1, s20, s18, $0xb8;
	[tilespmem:$0x9E00] =	vst v63  }
0x2b: {  	_ = 	snop  }
0x2c: {  	[tilespmem:s22], [sflag:$0x5] =	stream.strided.gather [hbm4b:s8+s11], $0x3400, s12, s11, $0x38;
	[tilespmem:$0x9E00] =	vst v63  }
0x2d: {  	_ =	swait.ge [sflag:s13], $0x3400  }
0x2e: {  	[sflag:s13] =	ssyncset.done $0x0  }
0x2f: {  	[sflag:s13] =	ssyncadd.s32 $0xFFFFCC00  }
0x30: {  	_ =	swait.ge [sflag:s23], $0xE00  }
0x31: {  	[sflag:s23] =	ssyncset.done $0x0  }
0x32: {  	s30 =	simm.s32 $0x0;
	[sflag:s23] =	ssyncadd.s32 $0xFFFFF200  }
0x33: {  	v0 =	vld [tilespmem:s30+$0x3400]  }
0x34: {  	v1 =	vld [tilespmem:s30+$0x6800]  }
0x35: {  	v2 =	vld [tilespmem:s30+$0x3600]  }
0x36: {  	v3 =	vld [tilespmem:s30+$0x6A00]  }
0x37: {  	v4 =	vld [tilespmem:s30+$0x3800]  }
0x38: {  	v5 =	vld [tilespmem:s30+$0x6C00]  }
0x39: {  	v6 =	vld [tilespmem:s30+$0x6E00];
	v0 =	vmul.f32 v1, v0  }
0x3a: {  	v1 =	vld [tilespmem:s30+$0x3A00]  }
0x3b: {  	v7 =	vld [tilespmem:s30+$0x3C00];
	v2 =	vmul.f32 v3, v2;
	v0 =	vadd.f32 $0.0e+00, v0  }
0x3c: {  	v8 =	vld [tilespmem:s30+$0x7000]  }
0x3d: {  	v4 =	vmul.f32 v5, v4;
	v3 =	vld [tilespmem:s30+$0x7200];
	v2 =	vadd.f32 v2, v0  }
0x3e: {  	v0 =	vld [tilespmem:s30+$0x3E00]  }
0x3f: {  	v6 =	vmul.f32 v6, v1;
	v1 =	vld [tilespmem:s30+$0x4000];
	v5 =	vadd.f32 v4, v2  }
0x40: {  	s31 =	simm.s32 $0x10;
	v4 =	vld [tilespmem:s30+$0x7400]  }
0x41: {  	s1 =	simm.s32 $0x80;
	v2 =	vld [tilespmem:s31+$0x3400];
	v5 =	vadd.f32 v6, v5;
	v6 =	vmul.f32 v8, v7  }
.LBB2_2:
0x42: {  	p0 =	sne.s32 s1, $0x7C0;
	v7 =	vld [tilespmem:s31+$0x6800]  }
0x43: {  	v8 =	vld [tilespmem:s31+$0x3600];
	v5 =	vadd.f32 v6, v5;
	v0 =	vmul.f32 v3, v0  }
0x44: {  	v3 =	vld [tilespmem:s31+$0x6A00]  }
0x45: {  	v6 =	vld [tilespmem:s31+$0x3800];
	v0 =	vadd.f32 v0, v5;
	v1 =	vmul.f32 v4, v1  }
0x46: {  	v4 =	vld [tilespmem:s31+$0x6C00]  }
0x47: {  	v2 =	vmul.f32 v7, v2;
	v5 =	vld [tilespmem:s31+$0x3A00];
	v0 =	vadd.f32 v1, v0  }
0x48: {  	v1 =	vld [tilespmem:s31+$0x6E00]  }
0x49: {  	v2 =	vadd.f32 $0.0e+00, v2;
	v3 =	vmul.f32 v3, v8;
	v7 =	vld [tilespmem:s31+$0x3C00];
	[tilespmem:s30+$0x9C00] =	vst v0;
	s30 =	smov.u32 s31  }
0x4a: {  	v8 =	vld [tilespmem:s30+$0x7000]  }
.Ltmp0:
0x4b: {  	v2 =	vadd.f32 v3, v2;
	v4 =	vmul.f32 v4, v6;
	v0 =	vld [tilespmem:s30+$0x3E00];
	(pc) =	sbr.rel @p0 .LBB2_2-.Ltmp0, $4  }
0x4c: {  	v3 =	vld [tilespmem:s30+$0x7200]  }
0x4d: {  	v6 =	vadd.f32 v4, v2;
	v5 =	vmul.f32 v1, v5;
	v1 =	vld [tilespmem:s30+$0x4000]  }
0x4e: {  	s31 =	sshra.s32 s1, $0x2;
	v4 =	vld [tilespmem:s30+$0x7400]  }
0x4f: {  	s1 =	sadd.s32 $0x40, s1;
	v2 =	vld [tilespmem:s31+$0x3400];
	v5 =	vadd.f32 v5, v6;
	v6 =	vmul.f32 v8, v7  }
0x50: {  	v7 =	vld [tilespmem:s31+$0x6800]  }
0x51: {  	v8 =	vld [tilespmem:s31+$0x3600];
	v5 =	vadd.f32 v6, v5;
	v0 =	vmul.f32 v3, v0  }
0x52: {  	v3 =	vld [tilespmem:s31+$0x6A00]  }
0x53: {  	v49 =	vld [tilespmem:s31+$0x3800];
	v0 =	vadd.f32 v0, v5;
	v1 =	vmul.f32 v4, v1  }
0x54: {  	v50 =	vld [tilespmem:s31+$0x6C00]  }
0x55: {  	v51 =	vld [tilespmem:s31+$0x3A00];
	v2 =	vmul.f32 v7, v2;
	v0 =	vadd.f32 v1, v0  }
0x56: {  	v1 =	vld [tilespmem:s31+$0x6E00]  }
0x57: {  	v52 =	vld [tilespmem:s31+$0x3C00];
	v3 =	vmul.f32 v3, v8;
	v2 =	vadd.f32 $0.0e+00, v2;
	[tilespmem:s30+$0x9C00] =	vst v0  }
0x58: {  	v0 =	vld [tilespmem:s31+$0x7000]  }
0x59: {  	v53 =	vld [tilespmem:s31+$0x3E00];
	v2 =	vadd.f32 v3, v2;
	v3 =	vmul.f32 v50, v49  }
0x5a: {  	v54 =	vld [tilespmem:s31+$0x7200]  }
0x5b: {  	v55 =	vld [tilespmem:s31+$0x7400];
	v1 =	vmul.f32 v1, v51;
	v2 =	vadd.f32 v3, v2  }
0x5c: {  	v3 =	vld [tilespmem:s31+$0x4000]  }
0x5d: {  	v1 =	vadd.f32 v1, v2;
	v0 =	vmul.f32 v0, v52;
	_ =	sdelay $0x1  }
0x5e: {  	v0 =	vadd.f32 v0, v1;
	v1 =	vmul.f32 v54, v53;
	_ =	sdelay $0x1  }
0x5f: {  	v0 =	vadd.f32 v1, v0;
	v1 =	vmul.f32 v55, v3;
	_ =	sdelay $0x1  }
0x60: {  	v0 =	vadd.f32 v1, v0;
	_ =	sdelay $0x1  }
0x61: {  	[tilespmem:s31+$0x9C00] =	vst v0  }
0x62: {  	_ =	swait.ge [sflag:s24], $0xE00  }
0x63: {  	[sflag:s24] =	ssyncset.done $0x0  }
0x64: {  	s30 =	simm.s32 $0x0;
	[sflag:s24] =	ssyncadd.s32 $0xFFFFF200  }
0x65: {  	v0 =	vld [tilespmem:s30+$0x4400]  }
0x66: {  	v1 =	vld [tilespmem:s30+$0x4200]  }
0x67: {  	v2 =	vld [tilespmem:s30+$0x7600]  }
0x68: {  	v3 =	vld [tilespmem:s30+$0x7800]  }
0x69: {  	v56 =	vld [tilespmem:s30+$0x9C00]  }
0x6a: {  	v57 =	vld [tilespmem:s30+$0x4600]  }
0x6b: {  	v58 =	vld [tilespmem:s30+$0x7A00]  }
0x6c: {  	v59 =	vld [tilespmem:s30+$0x7C00];
	v1 =	vmul.f32 v2, v1  }
0x6d: {  	v2 =	vld [tilespmem:s30+$0x4800]  }
0x6e: {  	v60 =	vld [tilespmem:s30+$0x7E00];
	v0 =	vmul.f32 v3, v0;
	v1 =	vadd.f32 v1, v56  }
0x6f: {  	v3 =	vld [tilespmem:s30+$0x4A00]  }
0x70: {  	v61 =	vld [tilespmem:s30+$0x4C00];
	v0 =	vadd.f32 v0, v1;
	v1 =	vmul.f32 v58, v57  }
0x71: {  	v62 =	vld [tilespmem:s30+$0x8000]  }
0x72: {  	v63 =	vld [tilespmem:s30+$0x8200];
	v0 =	vadd.f32 v1, v0;
	v1 =	vmul.f32 v59, v2  }
0x73: {  	v2 =	vld [tilespmem:s30+$0x4E00]  }
0x74: {  	v0 =	vadd.f32 v1, v0;
	v1 =	vmul.f32 v60, v3;
	_ =	sdelay $0x1  }
0x75: {  	v0 =	vadd.f32 v1, v0;
	v1 =	vmul.f32 v62, v61;
	_ =	sdelay $0x1  }
0x76: {  	s1 =	simm.s32 $0x10;
	v2 =	vmul.f32 v63, v2;
	v3 =	vadd.f32 v1, v0  }
0x77: {  	v0 =	vld [tilespmem:s1+$0x4400]  }
0x78: {  	s31 =	simm.s32 $0x80;
	v1 =	vld [tilespmem:s1+$0x4200];
	v2 =	vadd.f32 v2, v3  }
.LBB2_4:
0x79: {  	p0 =	sne.s32 s31, $0x7C0;
	v3 =	vld [tilespmem:s1+$0x7600]  }
0x7a: {  	v4 =	vld [tilespmem:s1+$0x7800];
	[tilespmem:s30+$0x9C00] =	vst v2;
	s30 =	smov.u32 s1  }
0x7b: {  	v2 =	vld [tilespmem:s30+$0x9C00]  }
0x7c: {  	v5 =	vld [tilespmem:s30+$0x4600]  }
0x7d: {  	v6 =	vld [tilespmem:s30+$0x7A00]  }
0x7e: {  	v1 =	vmul.f32 v3, v1;
	v3 =	vld [tilespmem:s30+$0x4800]  }
0x7f: {  	v7 =	vld [tilespmem:s30+$0x7C00]  }
0x80: {  	v0 =	vmul.f32 v4, v0;
	v1 =	vadd.f32 v1, v2;
	v2 =	vld [tilespmem:s30+$0x4A00]  }
0x81: {  	v4 =	vld [tilespmem:s30+$0x7E00]  }
0x82: {  	v0 =	vadd.f32 v0, v1;
	v1 =	vmul.f32 v6, v5;
	v5 =	vld [tilespmem:s30+$0x4C00]  }
0x83: {  	v6 =	vld [tilespmem:s30+$0x8000]  }
0x84: {  	v0 =	vadd.f32 v1, v0;
	v1 =	vmul.f32 v7, v3;
	v3 =	vld [tilespmem:s30+$0x4E00]  }
0x85: {  	v7 =	vld [tilespmem:s30+$0x8200]  }
0x86: {  	v0 =	vadd.f32 v1, v0;
	v1 =	vmul.f32 v4, v2;
	_ =	sdelay $0x1  }
.Ltmp1:
0x87: {  	v0 =	vadd.f32 v1, v0;
	v1 =	vmul.f32 v6, v5;
	(pc) =	sbr.rel @p0 .LBB2_4-.Ltmp1, $4  }
0x88: {  	_ = 	snop  }
0x89: {  	s1 =	sshra.s32 s31, $0x2;
	v2 =	vadd.f32 v1, v0;
	v3 =	vmul.f32 v7, v3  }
0x8a: {  	v0 =	vld [tilespmem:s1+$0x4400]  }
0x8b: {  	s31 =	sadd.s32 $0x40, s31;
	v1 =	vld [tilespmem:s1+$0x4200];
	v2 =	vadd.f32 v3, v2  }
0x8c: {  	v3 =	vld [tilespmem:s1+$0x7600]  }
0x8d: {  	v4 =	vld [tilespmem:s1+$0x7800];
	[tilespmem:s30+$0x9C00] =	vst v2  }
0x8e: {  	v2 =	vld [tilespmem:s1+$0x9C00]  }
0x8f: {  	v5 =	vld [tilespmem:s1+$0x4600]  }
0x90: {  	v6 =	vld [tilespmem:s1+$0x7A00]  }
0x91: {  	v7 =	vld [tilespmem:s1+$0x7C00];
	v1 =	vmul.f32 v3, v1  }
0x92: {  	v3 =	vld [tilespmem:s1+$0x4800]  }
0x93: {  	v53 =	vld [tilespmem:s1+$0x7E00];
	v0 =	vmul.f32 v4, v0;
	v1 =	vadd.f32 v1, v2  }
0x94: {  	v2 =	vld [tilespmem:s1+$0x4A00]  }
0x95: {  	v54 =	vld [tilespmem:s1+$0x4C00];
	v0 =	vadd.f32 v0, v1;
	v1 =	vmul.f32 v6, v5  }
0x96: {  	v55 =	vld [tilespmem:s1+$0x8000]  }
0x97: {  	v56 =	vld [tilespmem:s1+$0x8200];
	v0 =	vadd.f32 v1, v0;
	v1 =	vmul.f32 v7, v3  }
0x98: {  	v3 =	vld [tilespmem:s1+$0x4E00]  }
0x99: {  	v0 =	vadd.f32 v1, v0;
	v1 =	vmul.f32 v53, v2;
	_ =	sdelay $0x1  }
0x9a: {  	v0 =	vadd.f32 v1, v0;
	v1 =	vmul.f32 v55, v54;
	_ =	sdelay $0x1  }
0x9b: {  	v0 =	vadd.f32 v1, v0;
	v1 =	vmul.f32 v56, v3;
	_ =	sdelay $0x1  }
0x9c: {  	v0 =	vadd.f32 v1, v0;
	_ =	sdelay $0x1  }
0x9d: {  	[tilespmem:s1+$0x9C00] =	vst v0  }
0x9e: {  	_ =	swait.ge [sflag:s25], $0xC00  }
0x9f: {  	[sflag:s25] =	ssyncset.done $0x0  }
0xa0: {  	s30 =	simm.s32 $0x0;
	[sflag:s25] =	ssyncadd.s32 $0xFFFFF400  }
0xa1: {  	v0 =	vld [tilespmem:s30+$0x5200]  }
0xa2: {  	v1 =	vld [tilespmem:s30+$0x5000]  }
0xa3: {  	v2 =	vld [tilespmem:s30+$0x8400]  }
0xa4: {  	v3 =	vld [tilespmem:s30+$0x8600]  }
0xa5: {  	v57 =	vld [tilespmem:s30+$0x9C00]  }
0xa6: {  	v58 =	vld [tilespmem:s30+$0x5400]  }
0xa7: {  	v59 =	vld [tilespmem:s30+$0x8800]  }
0xa8: {  	v60 =	vld [tilespmem:s30+$0x8A00];
	v1 =	vmul.f32 v2, v1  }
0xa9: {  	v2 =	vld [tilespmem:s30+$0x5600]  }
0xaa: {  	v61 =	vld [tilespmem:s30+$0x8C00];
	v0 =	vmul.f32 v3, v0;
	v1 =	vadd.f32 v1, v57  }
0xab: {  	v3 =	vld [tilespmem:s30+$0x5800]  }
0xac: {  	v62 =	vld [tilespmem:s30+$0x5A00];
	v0 =	vadd.f32 v0, v1;
	v1 =	vmul.f32 v59, v58  }
0xad: {  	v63 =	vld [tilespmem:s30+$0x8E00]  }
0xae: {  	v0 =	vadd.f32 v1, v0;
	v1 =	vmul.f32 v60, v2;
	_ =	sdelay $0x1  }
0xaf: {  	v0 =	vadd.f32 v1, v0;
	v1 =	vmul.f32 v61, v3;
	_ =	sdelay $0x1  }
0xb0: {  	s31 =	simm.s32 $0x10;
	v3 =	vmul.f32 v63, v62;
	v2 =	vadd.f32 v1, v0  }
0xb1: {  	v0 =	vld [tilespmem:s31+$0x5200]  }
0xb2: {  	s1 =	simm.s32 $0x80;
	v1 =	vld [tilespmem:s31+$0x5000];
	v2 =	vadd.f32 v3, v2  }
.LBB2_6:
0xb3: {  	p0 =	sne.s32 s1, $0x7C0;
	v3 =	vld [tilespmem:s31+$0x8400]  }
0xb4: {  	v4 =	vld [tilespmem:s31+$0x8600];
	[tilespmem:s30+$0x9C00] =	vst v2;
	s30 =	smov.u32 s31  }
0xb5: {  	v2 =	vld [tilespmem:s30+$0x9C00]  }
0xb6: {  	v5 =	vld [tilespmem:s30+$0x5400]  }
0xb7: {  	v6 =	vld [tilespmem:s30+$0x8800]  }
0xb8: {  	v1 =	vmul.f32 v3, v1;
	v3 =	vld [tilespmem:s30+$0x5600]  }
0xb9: {  	v7 =	vld [tilespmem:s30+$0x8A00]  }
0xba: {  	v0 =	vmul.f32 v4, v0;
	v1 =	vadd.f32 v1, v2;
	v2 =	vld [tilespmem:s30+$0x5800]  }
0xbb: {  	v4 =	vld [tilespmem:s30+$0x8C00]  }
0xbc: {  	v0 =	vadd.f32 v0, v1;
	v1 =	vmul.f32 v6, v5;
	v5 =	vld [tilespmem:s30+$0x5A00]  }
0xbd: {  	v6 =	vld [tilespmem:s30+$0x8E00]  }
0xbe: {  	v0 =	vadd.f32 v1, v0;
	v1 =	vmul.f32 v7, v3;
	_ =	sdelay $0x1  }
.Ltmp2:
0xbf: {  	v0 =	vadd.f32 v1, v0;
	v1 =	vmul.f32 v4, v2;
	(pc) =	sbr.rel @p0 .LBB2_6-.Ltmp2, $4  }
0xc0: {  	_ = 	snop  }
0xc1: {  	s31 =	sshra.s32 s1, $0x2;
	v2 =	vadd.f32 v1, v0;
	v3 =	vmul.f32 v6, v5  }
0xc2: {  	v0 =	vld [tilespmem:s31+$0x5200]  }
0xc3: {  	s1 =	sadd.s32 $0x40, s1;
	v1 =	vld [tilespmem:s31+$0x5000];
	v2 =	vadd.f32 v3, v2  }
0xc4: {  	v3 =	vld [tilespmem:s31+$0x8400]  }
0xc5: {  	v4 =	vld [tilespmem:s31+$0x8600];
	[tilespmem:s30+$0x9C00] =	vst v2  }
0xc6: {  	v2 =	vld [tilespmem:s31+$0x9C00]  }
0xc7: {  	v5 =	vld [tilespmem:s31+$0x5400]  }
0xc8: {  	v6 =	vld [tilespmem:s31+$0x8800]  }
0xc9: {  	v7 =	vld [tilespmem:s31+$0x8A00];
	v1 =	vmul.f32 v3, v1  }
0xca: {  	v3 =	vld [tilespmem:s31+$0x5600]  }
0xcb: {  	v54 =	vld [tilespmem:s31+$0x8C00];
	v0 =	vmul.f32 v4, v0;
	v1 =	vadd.f32 v1, v2  }
0xcc: {  	v2 =	vld [tilespmem:s31+$0x5800]  }
0xcd: {  	v55 =	vld [tilespmem:s31+$0x5A00];
	v0 =	vadd.f32 v0, v1;
	v1 =	vmul.f32 v6, v5  }
0xce: {  	v56 =	vld [tilespmem:s31+$0x8E00]  }
0xcf: {  	v0 =	vadd.f32 v1, v0;
	v1 =	vmul.f32 v7, v3;
	_ =	sdelay $0x1  }
0xd0: {  	v0 =	vadd.f32 v1, v0;
	v1 =	vmul.f32 v54, v2;
	_ =	sdelay $0x1  }
0xd1: {  	v0 =	vadd.f32 v1, v0;
	v1 =	vmul.f32 v56, v55;
	_ =	sdelay $0x1  }
0xd2: {  	v0 =	vadd.f32 v1, v0;
	_ =	sdelay $0x1  }
0xd3: {  	[tilespmem:s31+$0x9C00] =	vst v0  }
0xd4: {  	_ =	swait.ge [sflag:s26], $0xC00  }
0xd5: {  	[sflag:s26] =	ssyncset.done $0x0  }
0xd6: {  	s30 =	simm.s32 $0x0;
	[sflag:s26] =	ssyncadd.s32 $0xFFFFF400  }
0xd7: {  	v0 =	vld [tilespmem:s30+$0x5E00]  }
0xd8: {  	v1 =	vld [tilespmem:s30+$0x5C00]  }
0xd9: {  	v2 =	vld [tilespmem:s30+$0x9000]  }
0xda: {  	v3 =	vld [tilespmem:s30+$0x9200]  }
0xdb: {  	v57 =	vld [tilespmem:s30+$0x9C00]  }
0xdc: {  	v58 =	vld [tilespmem:s30+$0x6000]  }
0xdd: {  	v59 =	vld [tilespmem:s30+$0x9400]  }
0xde: {  	v60 =	vld [tilespmem:s30+$0x9600];
	v1 =	vmul.f32 v2, v1  }
0xdf: {  	v2 =	vld [tilespmem:s30+$0x6200]  }
0xe0: {  	v61 =	vld [tilespmem:s30+$0x9800];
	v0 =	vmul.f32 v3, v0;
	v1 =	vadd.f32 v1, v57  }
0xe1: {  	v3 =	vld [tilespmem:s30+$0x6400]  }
0xe2: {  	v62 =	vld [tilespmem:s30+$0x6600];
	v0 =	vadd.f32 v0, v1;
	v1 =	vmul.f32 v59, v58  }
0xe3: {  	v63 =	vld [tilespmem:s30+$0x9A00]  }
0xe4: {  	v0 =	vadd.f32 v1, v0;
	v1 =	vmul.f32 v60, v2;
	_ =	sdelay $0x1  }
0xe5: {  	v0 =	vadd.f32 v1, v0;
	v1 =	vmul.f32 v61, v3;
	_ =	sdelay $0x1  }
0xe6: {  	s31 =	simm.s32 $0x10;
	v3 =	vmul.f32 v63, v62;
	v2 =	vadd.f32 v1, v0  }
0xe7: {  	v0 =	vld [tilespmem:s31+$0x5E00]  }
0xe8: {  	s1 =	simm.s32 $0x80;
	v1 =	vld [tilespmem:s31+$0x5C00];
	v2 =	vadd.f32 v3, v2  }
.LBB2_8:
0xe9: {  	p0 =	sne.s32 s1, $0x7C0;
	v3 =	vld [tilespmem:s31+$0x9000]  }
0xea: {  	v4 =	vld [tilespmem:s31+$0x9200];
	[tilespmem:s30+$0x9C00] =	vst v2;
	s30 =	smov.u32 s31  }
0xeb: {  	v2 =	vld [tilespmem:s30+$0x9C00]  }
0xec: {  	v5 =	vld [tilespmem:s30+$0x6000]  }
0xed: {  	v6 =	vld [tilespmem:s30+$0x9400]  }
0xee: {  	v1 =	vmul.f32 v3, v1;
	v3 =	vld [tilespmem:s30+$0x6200]  }
0xef: {  	v7 =	vld [tilespmem:s30+$0x9600]  }
0xf0: {  	v0 =	vmul.f32 v4, v0;
	v1 =	vadd.f32 v1, v2;
	v2 =	vld [tilespmem:s30+$0x6400]  }
0xf1: {  	v4 =	vld [tilespmem:s30+$0x9800]  }
0xf2: {  	v0 =	vadd.f32 v0, v1;
	v1 =	vmul.f32 v6, v5;
	v5 =	vld [tilespmem:s30+$0x6600]  }
0xf3: {  	v6 =	vld [tilespmem:s30+$0x9A00]  }
0xf4: {  	v0 =	vadd.f32 v1, v0;
	v1 =	vmul.f32 v7, v3;
	_ =	sdelay $0x1  }
.Ltmp3:
0xf5: {  	v0 =	vadd.f32 v1, v0;
	v1 =	vmul.f32 v4, v2;
	(pc) =	sbr.rel @p0 .LBB2_8-.Ltmp3, $4  }
0xf6: {  	_ = 	snop  }
0xf7: {  	s31 =	sshra.s32 s1, $0x2;
	v2 =	vadd.f32 v1, v0;
	v3 =	vmul.f32 v6, v5  }
0xf8: {  	v0 =	vld [tilespmem:s31+$0x5E00]  }
0xf9: {  	s1 =	sadd.s32 $0x40, s1;
	v1 =	vld [tilespmem:s31+$0x5C00];
	v2 =	vadd.f32 v3, v2  }
0xfa: {  	v3 =	vld [tilespmem:s31+$0x9000]  }
0xfb: {  	v4 =	vld [tilespmem:s31+$0x9200];
	[tilespmem:s30+$0x9C00] =	vst v2  }
0xfc: {  	v2 =	vld [tilespmem:s31+$0x9C00]  }
0xfd: {  	v5 =	vld [tilespmem:s31+$0x6000]  }
0xfe: {  	v6 =	vld [tilespmem:s31+$0x9400]  }
0xff: {  	v55 =	vld [tilespmem:s31+$0x6200];
	v1 =	vmul.f32 v3, v1  }
0x100: {  	v7 =	vld [tilespmem:s31+$0x9600]  }
0x101: {  	v56 =	vld [tilespmem:s31+$0x6400];
	v0 =	vmul.f32 v4, v0;
	v1 =	vadd.f32 v1, v2  }
0x102: {  	v57 =	vld [tilespmem:s31+$0x9800]  }
0x103: {  	v59 =	vld [tilespmem:s31+$0x6600];
	v58 =	vmul.f32 v6, v5;
	v0 =	vadd.f32 v0, v1  }
0x104: {  	v60 =	vld [tilespmem:s31+$0x9A00]  }
0x105: {  	v61 =	vmul.f32 v7, v55;
	v0 =	vadd.f32 v58, v0;
	_ =	sdelay $0x1  }
0x106: {  	v62 =	vmul.f32 v57, v56;
	v0 =	vadd.f32 v61, v0;
	_ =	sdelay $0x1  }
0x107: {  	v63 =	vmul.f32 v60, v59;
	v0 =	vadd.f32 v62, v0;
	_ =	sdelay $0x1  }
0x108: {  	s29 =	sadd.s32 $0x1, s29;
	v0 =	vadd.f32 v63, v0  }
0x109: {  	p0 =	sne.s32 s29, s10  }
.Ltmp4:
0x10a: {  	[tilespmem:s31+$0x9C00] =	vst v0;
	(pc) =	sbr.rel @p0 .LBB2_1-.Ltmp4, $4  }
0x10b: {  	[hbm4b:s9+s3] =	stream.linear.scatter [tilespmem:s28], [sflag:$0x5], $0x200, $0x38;
	[tilespmem:$0x9E00] =	vst v63  }
0x10c: {  	_ =	swait.ge [sflag:s13], $0x200  }
0x10d: {  	[sflag:s13] =	ssyncset.done $0x0  }
0x10e: {  	[sflag:s13] =	ssyncadd.s32 $0xFFFFFE00  }
0x10f: {  	_ =	sfence.sel $0x180000  }
0x110: {  	[bflag:$0x0] =	sbarrier.arrive $0xFFFF  }
0x111: {  	_ =	strace $0x90000047  }
0x112: {  	[bflag:$0x2] =	sbarrier.arrive $0xFFFF  }
0x113: {  	p0 =	sne.s32 s0, $0x0;
	s0 =	rddreg [dreg:$0x3]  }
0x114: {  	s0 =	sadd.s32 @!p0 $0x100000, s0  }
0x115: {  	[sflag:s0] =	ssyncadd.tile.s32 @!p0 $0x1;
	_ =	shalt  }
.Lfunc_end2:
_tile_overlayer_lowered:
.L_overlay_start_2:
0x116: {  	(tag) =	ssettag $0x2  }
0x117: {  	s0 =	rddreg [dreg:$0x0];
	s2 =	stileid.u32  }
0x118: {  	s1 =	rddreg [dreg:$0x1];
	p0 =	sne.s32 s2, $0x0  }
0x119: {  	s3 =	rddreg [dreg:$0x2];
	[bflag:$0x3] =	sbarrier.arrive $0xFFFF;
	s2 =	simm.s32 @!p0 $0x1C05  }
0x11a: {  	[timem:s3], [sflag:s2] =	dma.local @!p0 [hbm:s0], s1  }
0x11b: {  	s0 =	simm.s32 @!p0 $0x5  }
0x11c: {  	_ =	swait.ge @!p0 [sflag:s0], s1  }
0x11d: {  	s1 =	ssub.s32 @!p0 $0x0, s1;
	[sflag:s0] =	ssyncset.done @!p0 $0x0  }
0x11e: {  	[sflag:s0] =	ssyncadd.s32 @!p0 s1  }
0x11f: {  	[bflag:$0x3] =	sbarrier.arrive $0xFFFF  }
0x120: {  	_ =	shalt  }

</sc_bundles>
